<compile_context>
chip_gen: v7x
topology: tpu7x:2x2x1
jax: 0.10.2.dev20260603
libtpu: 0.0.44.dev20260713+nightly
codegen_flags: <defaults>
</compile_context>

<pallas_src>
import functools

import jax
import jax.numpy as jnp
from jax import lax
from jax.experimental import pallas as pl
from jax.experimental.pallas import tpu as pltpu
from jax.experimental.pallas import tpu_sc as plsc

B = 16384
S = 100
D1 = 512
D2 = 256

NSPLIT = 4
BCH = B // NSPLIT

NC = 2
NS = 16
NW = NC * NS
E = BCH * S
EW = E // NW
CE = EW


@functools.cache
def _get_sc_gather():
    mesh = plsc.VectorSubcoreMesh(core_axis_name="c", subcore_axis_name="s")

    @functools.partial(
        pl.kernel,
        mesh=mesh,
        out_type=(
            jax.ShapeDtypeStruct((E,), jnp.float32),
            jax.ShapeDtypeStruct((E,), jnp.float32),
        ),
        scratch_types=[
            pltpu.VMEM((CE,), jnp.int32),
            pltpu.VMEM((CE,), jnp.float32),
            pltpu.VMEM((CE,), jnp.float32),
            pltpu.SemaphoreType.DMA,
            pltpu.SemaphoreType.DMA,
        ],
    )
    def _sc_gather(idx_hbm, sparse_hbm, certain_hbm, out_s, out_c,
                   idx_v, sbuf, cbuf, sem_s, sem_c):
        wid = lax.axis_index("s") * NC + lax.axis_index("c")
        r0 = wid * EW
        pltpu.sync_copy(idx_hbm.at[pl.ds(r0, CE)], idx_v)
        a = pltpu.async_copy(sparse_hbm.at[idx_v], sbuf, sem_s)
        b = pltpu.async_copy(certain_hbm.at[idx_v], cbuf, sem_c)
        a.wait()
        b.wait()
        pltpu.sync_copy(sbuf, out_s.at[pl.ds(r0, CE)])
        pltpu.sync_copy(cbuf, out_c.at[pl.ds(r0, CE)])

    return _sc_gather


BM = 1024


def _tower_body(x_ref, c_ref, lab_ref, gb_ref, w1_ref, b1_ref, w2_ref,
                b2_ref, w3_ref, pred_ref, part_ref, acc_ref):
    i = pl.program_id(0)
    x = x_ref[...]
    h = jnp.dot(x, w1_ref[...], preferred_element_type=jnp.float32)
    h = jnp.maximum(h + b1_ref[...], 0.0)
    h = jnp.dot(h, w2_ref[...], preferred_element_type=jnp.float32)
    h = jnp.maximum(h + b2_ref[...], 0.0)
    nn = jnp.sum(h * w3_ref[...], axis=1)
    logits = jnp.sum(x, axis=1) + nn + gb_ref[0, 0]
    pred_ref[...] = jax.nn.sigmoid(logits)
    craw = jax.nn.sigmoid(jnp.sum(c_ref[...], axis=1)) + 0.5
    xent = (jnp.maximum(logits, 0.0) - logits * lab_ref[...]
            + jnp.log1p(jnp.exp(-jnp.abs(logits))))
    s0 = jnp.sum(xent * craw)
    s1 = jnp.sum(craw)

    @pl.when(i == 0)
    def _():
        acc_ref[0] = 0.0
        acc_ref[1] = 0.0

    acc_ref[0] += s0
    acc_ref[1] += s1

    @pl.when(i == pl.num_programs(0) - 1)
    def _():
        part_ref[0] = acc_ref[0]
        part_ref[1] = acc_ref[1]


_tower = pl.pallas_call(
    _tower_body,
    grid=(BCH // BM,),
    in_specs=[
        pl.BlockSpec((BM, S), lambda i: (i, 0)),
        pl.BlockSpec((BM, S), lambda i: (i, 0)),
        pl.BlockSpec((BM,), lambda i: (i,)),
        pl.BlockSpec(memory_space=pltpu.SMEM),
        pl.BlockSpec((S, D1), lambda i: (0, 0)),
        pl.BlockSpec((1, D1), lambda i: (0, 0)),
        pl.BlockSpec((D1, D2), lambda i: (0, 0)),
        pl.BlockSpec((1, D2), lambda i: (0, 0)),
        pl.BlockSpec((1, D2), lambda i: (0, 0)),
    ],
    out_specs=[
        pl.BlockSpec((BM,), lambda i: (i,)),
        pl.BlockSpec(memory_space=pltpu.SMEM),
    ],
    out_shape=[
        jax.ShapeDtypeStruct((BCH,), jnp.float32),
        jax.ShapeDtypeStruct((2,), jnp.float32),
    ],
    scratch_shapes=[pltpu.SMEM((2,), jnp.float32)],
)


def kernel(slot_bias_fid_index, label, sparse_bias, certain_bias,
           global_bias, W1, b1, W2, b2, W3, b3):
    idx_flat = slot_bias_fid_index.reshape(-1)
    gb = (global_bias[0] + b3[0]).reshape(1, 1)
    b1r = b1.reshape(1, D1)
    b2r = b2.reshape(1, D2)
    w3r = W3.reshape(1, D2)
    sc_gather = _get_sc_gather()
    preds = []
    parts = []
    for k in range(NSPLIT):
        bias_f, cert_f = sc_gather(
            lax.dynamic_slice(idx_flat, (k * E,), (E,)),
            sparse_bias, certain_bias)
        pred_k, part_k = _tower(bias_f.reshape(BCH, S),
                                cert_f.reshape(BCH, S),
                                lax.dynamic_slice(label, (k * BCH,), (BCH,)),
                                gb, W1, b1r, W2, b2r, w3r)
        preds.append(pred_k)
        parts.append(part_k)
    pred = jnp.concatenate(preds)
    ps = jnp.stack(parts)
    s0 = jnp.sum(ps[:, 0])
    s1 = jnp.sum(ps[:, 1])
    loss = B * s0 / s1
    return pred, loss

# --- scband reference (transcript-rebuilt; emitter-appended) ---
"""Pipeline reference for scband-lrmodel-16561393893663 (READ-ONLY COPY).

The authoritative reference and input builder live on the scoring server;
editing this copy changes nothing except your own understanding.
"""

import jax, jax.numpy as jnp
import numpy as np

B = 16384
S = 100
FID_NUM = 1000000
DIMS = [512, 256, 1]


def setup_inputs(seed: int = 0) -> dict:
    key = jax.random.key(seed)
    ks = jax.random.split(key, 12)
    slot_bias_fid_index = jax.random.randint(ks[0], (B, S), 0, FID_NUM, dtype=jnp.int32)
    label = jax.random.uniform(ks[1], (B,), dtype=jnp.float32)
    sparse_bias = jax.random.normal(ks[2], (FID_NUM,), dtype=jnp.float32) * 0.01
    certain_bias = jax.random.normal(ks[3], (FID_NUM,), dtype=jnp.float32) * 0.01
    global_bias = jnp.zeros((1,), dtype=jnp.float32)
    W1 = jax.random.normal(ks[4], (S, DIMS[0]), dtype=jnp.float32) * (1.0 / np.sqrt(S))
    b1 = jnp.zeros((DIMS[0],), dtype=jnp.float32)
    W2 = jax.random.normal(ks[5], (DIMS[0], DIMS[1]), dtype=jnp.float32) * (1.0 / np.sqrt(DIMS[0]))
    b2 = jnp.zeros((DIMS[1],), dtype=jnp.float32)
    W3 = jax.random.normal(ks[6], (DIMS[1], DIMS[2]), dtype=jnp.float32) * (1.0 / np.sqrt(DIMS[1]))
    b3 = jnp.zeros((DIMS[2],), dtype=jnp.float32)
    return {
        "slot_bias_fid_index": slot_bias_fid_index,
        "label": label,
        "sparse_bias": sparse_bias,
        "certain_bias": certain_bias,
        "global_bias": global_bias,
        "W1": W1, "b1": b1, "W2": W2, "b2": b2, "W3": W3, "b3": b3,
    }


def _sigmoid_xent(labels, logits):
    # tf.nn.sigmoid_cross_entropy_with_logits: max(x,0) - x*z + log(1 + exp(-|x|))
    return jnp.maximum(logits, 0.0) - logits * labels + jnp.log1p(jnp.exp(-jnp.abs(logits)))


def reference(slot_bias_fid_index, label, sparse_bias, certain_bias, global_bias, W1, b1, W2, b2, W3, b3):
    # sparse embedding gather: [B, S]
    bias_input = jnp.take(sparse_bias, slot_bias_fid_index, axis=0)
    bias_sum = jnp.sum(bias_input, axis=1)
    logits = bias_sum + global_bias[0]
    # dense tower on gathered bias values (bias_nn_dims)
    h = jax.nn.relu(bias_input @ W1 + b1)
    h = jax.nn.relu(h @ W2 + b2)
    nn = h @ W3 + b3  # [B, 1]
    nn_out = jnp.sum(nn, axis=1)
    logits = logits + nn_out
    pred = jax.nn.sigmoid(logits)
    # certainly weighting path
    certain_input = jnp.take(certain_bias, slot_bias_fid_index, axis=0)
    certain_logits = jnp.sum(certain_input, axis=1)
    certainly_raw = jax.nn.sigmoid(certain_logits) + 0.5
    certainly = certainly_raw / jnp.mean(certainly_raw)
    loss_vec = _sigmoid_xent(label, logits) * certainly
    loss = jnp.sum(loss_vec)
    return pred, loss

if __name__ == "__main__":
    import jax
    _d = setup_inputs()
    print(jax.jit(kernel)(*tuple(_d.values())))

</pallas_src>

<mosaic_0001>
#map = affine_map<(d0, d1) -> (0)>
module attributes {stable_mosaic.version = 14 : i64} {
  func.func @_sc_gather(%arg0: i32, %arg1: i32, %arg2: memref<409600xi32, #tpu.memory_space<hbm>>, %arg3: memref<1000000xf32, #tpu.memory_space<hbm>>, %arg4: memref<1000000xf32, #tpu.memory_space<hbm>>, %arg5: memref<409600xf32, #tpu.memory_space<hbm>>, %arg6: memref<409600xf32, #tpu.memory_space<hbm>>, %arg7: memref<12800xi32, #tpu.memory_space<vmem>>, %arg8: memref<12800xf32, #tpu.memory_space<vmem>>, %arg9: memref<12800xf32, #tpu.memory_space<vmem>>, %arg10: memref<!tpu.dma_semaphore, #tpu.memory_space<semaphore_mem>>, %arg11: memref<!tpu.dma_semaphore, #tpu.memory_space<semaphore_mem>>) attributes {dimension_semantics = [#tpu.dimension_semantics<core_parallel>, #tpu.dimension_semantics<subcore_parallel>], iteration_bounds = array<i64: 2, 16>, scalar_prefetch = 0 : i64, scratch_operands = 5 : i64, tpu.core_type = #tpu.core_type<sc_vector_subcore>, window_params = [{transform_indices = #map}, {transform_indices = #map}, {transform_indices = #map}, {transform_indices = #map}, {transform_indices = #map}]} {
    %mul3A = arith.constant 2 : i32
    %mul3A_0 = arith.muli %arg1, %mul3A : i32
    %add3A = arith.addi %mul3A_0, %arg0 : i32
    %mul3A_1 = arith.constant 12800 : i32
    %mul3A_2 = arith.muli %add3A, %mul3A_1 : i32
    "tpu.region"() ({
      %run_scoped3A = tpu.sem_alloc : memref<!tpu.dma_semaphore, #tpu.memory_space<semaphore_mem>>
      %dma_start3A_9 = tpu.memref_slice %arg2[%mul3A_2] : memref<409600xi32, #tpu.memory_space<hbm>> -> memref<12800xi32, #tpu.memory_space<hbm>>
      %dma_start3A_10 = tpu.memref_slice %arg2[%mul3A_2] : memref<409600xi32, #tpu.memory_space<hbm>> -> memref<12800xi32, #tpu.memory_space<hbm>>
      tpu.enqueue_dma source(%dma_start3A_10 : memref<12800xi32, #tpu.memory_space<hbm>>) target(%arg7 : memref<12800xi32, #tpu.memory_space<vmem>>) target_semaphore(%run_scoped3A : memref<!tpu.dma_semaphore, #tpu.memory_space<semaphore_mem>>)
      %dma_wait3A_11 = tpu.memref_slice %arg2[%mul3A_2] : memref<409600xi32, #tpu.memory_space<hbm>> -> memref<12800xi32, #tpu.memory_space<hbm>>
      %dma_wait3A_12 = tpu.memref_slice %arg2[%mul3A_2] : memref<409600xi32, #tpu.memory_space<hbm>> -> memref<12800xi32, #tpu.memory_space<hbm>>
      tpu.wait_dma2 semaphore(%run_scoped3A : memref<!tpu.dma_semaphore, #tpu.memory_space<semaphore_mem>>) src(%dma_wait3A_12 : memref<12800xi32, #tpu.memory_space<hbm>>) dst(%arg7 : memref<12800xi32, #tpu.memory_space<vmem>>)
      tpu.yield
    }) : () -> ()
    %dma_start3A = arith.constant 0 : i32
    %dma_start3A_3 = tpu.memref_slice %arg3[%dma_start3A] : memref<1000000xf32, #tpu.memory_space<hbm>> -> memref<1000000xf32, #tpu.memory_space<hbm>>
    tpu.enqueue_indirect_dma source(%dma_start3A_3 : memref<1000000xf32, #tpu.memory_space<hbm>>) target(%arg8 : memref<12800xf32, #tpu.memory_space<vmem>>) offsets(%arg7 : memref<12800xi32, #tpu.memory_space<vmem>>) semaphore(%arg10 : memref<!tpu.dma_semaphore, #tpu.memory_space<semaphore_mem>>)
    %dma_start3A_4 = arith.constant 0 : i32
    %dma_start3A_5 = tpu.memref_slice %arg4[%dma_start3A_4] : memref<1000000xf32, #tpu.memory_space<hbm>> -> memref<1000000xf32, #tpu.memory_space<hbm>>
    tpu.enqueue_indirect_dma source(%dma_start3A_5 : memref<1000000xf32, #tpu.memory_space<hbm>>) target(%arg9 : memref<12800xf32, #tpu.memory_space<vmem>>) offsets(%arg7 : memref<12800xi32, #tpu.memory_space<vmem>>) semaphore(%arg11 : memref<!tpu.dma_semaphore, #tpu.memory_space<semaphore_mem>>)
    %dma_wait3A = arith.constant 0 : i32
    %dma_wait3A_6 = tpu.memref_slice %arg3[%dma_wait3A] : memref<1000000xf32, #tpu.memory_space<hbm>> -> memref<1000000xf32, #tpu.memory_space<hbm>>
    tpu.wait_indirect_dma semaphore(%arg10 : memref<!tpu.dma_semaphore, #tpu.memory_space<semaphore_mem>>) src(%dma_wait3A_6 : memref<1000000xf32, #tpu.memory_space<hbm>>) dst(%arg8 : memref<12800xf32, #tpu.memory_space<vmem>>)
    %dma_wait3A_7 = arith.constant 0 : i32
    %dma_wait3A_8 = tpu.memref_slice %arg4[%dma_wait3A_7] : memref<1000000xf32, #tpu.memory_space<hbm>> -> memref<1000000xf32, #tpu.memory_space<hbm>>
    tpu.wait_indirect_dma semaphore(%arg11 : memref<!tpu.dma_semaphore, #tpu.memory_space<semaphore_mem>>) src(%dma_wait3A_8 : memref<1000000xf32, #tpu.memory_space<hbm>>) dst(%arg9 : memref<12800xf32, #tpu.memory_space<vmem>>)
    "tpu.region"() ({
      %run_scoped3A = tpu.sem_alloc : memref<!tpu.dma_semaphore, #tpu.memory_space<semaphore_mem>>
      %dma_start3A_9 = tpu.memref_slice %arg5[%mul3A_2] : memref<409600xf32, #tpu.memory_space<hbm>> -> memref<12800xf32, #tpu.memory_space<hbm>>
      %dma_start3A_10 = tpu.memref_slice %arg5[%mul3A_2] : memref<409600xf32, #tpu.memory_space<hbm>> -> memref<12800xf32, #tpu.memory_space<hbm>>
      tpu.enqueue_dma source(%arg8 : memref<12800xf32, #tpu.memory_space<vmem>>) target(%dma_start3A_10 : memref<12800xf32, #tpu.memory_space<hbm>>) target_semaphore(%run_scoped3A : memref<!tpu.dma_semaphore, #tpu.memory_space<semaphore_mem>>)
      %dma_wait3A_11 = tpu.memref_slice %arg5[%mul3A_2] : memref<409600xf32, #tpu.memory_space<hbm>> -> memref<12800xf32, #tpu.memory_space<hbm>>
      %dma_wait3A_12 = tpu.memref_slice %arg5[%mul3A_2] : memref<409600xf32, #tpu.memory_space<hbm>> -> memref<12800xf32, #tpu.memory_space<hbm>>
      tpu.wait_dma2 semaphore(%run_scoped3A : memref<!tpu.dma_semaphore, #tpu.memory_space<semaphore_mem>>) src(%arg8 : memref<12800xf32, #tpu.memory_space<vmem>>) dst(%dma_wait3A_12 : memref<12800xf32, #tpu.memory_space<hbm>>)
      tpu.yield
    }) : () -> ()
    "tpu.region"() ({
      %run_scoped3A = tpu.sem_alloc : memref<!tpu.dma_semaphore, #tpu.memory_space<semaphore_mem>>
      %dma_start3A_9 = tpu.memref_slice %arg6[%mul3A_2] : memref<409600xf32, #tpu.memory_space<hbm>> -> memref<12800xf32, #tpu.memory_space<hbm>>
      %dma_start3A_10 = tpu.memref_slice %arg6[%mul3A_2] : memref<409600xf32, #tpu.memory_space<hbm>> -> memref<12800xf32, #tpu.memory_space<hbm>>
      tpu.enqueue_dma source(%arg9 : memref<12800xf32, #tpu.memory_space<vmem>>) target(%dma_start3A_10 : memref<12800xf32, #tpu.memory_space<hbm>>) target_semaphore(%run_scoped3A : memref<!tpu.dma_semaphore, #tpu.memory_space<semaphore_mem>>)
      %dma_wait3A_11 = tpu.memref_slice %arg6[%mul3A_2] : memref<409600xf32, #tpu.memory_space<hbm>> -> memref<12800xf32, #tpu.memory_space<hbm>>
      %dma_wait3A_12 = tpu.memref_slice %arg6[%mul3A_2] : memref<409600xf32, #tpu.memory_space<hbm>> -> memref<12800xf32, #tpu.memory_space<hbm>>
      tpu.wait_dma2 semaphore(%run_scoped3A : memref<!tpu.dma_semaphore, #tpu.memory_space<semaphore_mem>>) src(%arg9 : memref<12800xf32, #tpu.memory_space<vmem>>) dst(%dma_wait3A_12 : memref<12800xf32, #tpu.memory_space<hbm>>)
      tpu.yield
    }) : () -> ()
    return
  }
}

#map = affine_map<(d0, d1) -> (0)>
module attributes {stable_mosaic.version = 14 : i64} {
  func.func @_sc_gather(%arg0: i32, %arg1: i32, %arg2: memref<409600xi32, #tpu.memory_space<hbm>>, %arg3: memref<1000000xf32, #tpu.memory_space<hbm>>, %arg4: memref<1000000xf32, #tpu.memory_space<hbm>>, %arg5: memref<409600xf32, #tpu.memory_space<hbm>>, %arg6: memref<409600xf32, #tpu.memory_space<hbm>>, %arg7: memref<12800xi32, #tpu.memory_space<vmem>>, %arg8: memref<12800xf32, #tpu.memory_space<vmem>>, %arg9: memref<12800xf32, #tpu.memory_space<vmem>>, %arg10: memref<!tpu.dma_semaphore, #tpu.memory_space<semaphore_mem>>, %arg11: memref<!tpu.dma_semaphore, #tpu.memory_space<semaphore_mem>>) attributes {dimension_semantics = [#tpu.dimension_semantics<core_parallel>, #tpu.dimension_semantics<subcore_parallel>], iteration_bounds = array<i64: 2, 16>, scalar_prefetch = 0 : i64, scratch_operands = 5 : i64, tpu.core_type = #tpu.core_type<sc_vector_subcore>, window_params = [{transform_indices = #map}, {transform_indices = #map}, {transform_indices = #map}, {transform_indices = #map}, {transform_indices = #map}]} {
    %mul3A = arith.constant 2 : i32
    %mul3A_0 = arith.muli %arg1, %mul3A : i32
    %add3A = arith.addi %mul3A_0, %arg0 : i32
    %mul3A_1 = arith.constant 12800 : i32
    %mul3A_2 = arith.muli %add3A, %mul3A_1 : i32
    "tpu.region"() ({
      %run_scoped3A = tpu.sem_alloc : memref<!tpu.dma_semaphore, #tpu.memory_space<semaphore_mem>>
      %dma_start3A_9 = tpu.memref_slice %arg2[%mul3A_2] : memref<409600xi32, #tpu.memory_space<hbm>> -> memref<12800xi32, #tpu.memory_space<hbm>>
      %dma_start3A_10 = tpu.memref_slice %arg2[%mul3A_2] : memref<409600xi32, #tpu.memory_space<hbm>> -> memref<12800xi32, #tpu.memory_space<hbm>>
      tpu.enqueue_dma source(%dma_start3A_10 : memref<12800xi32, #tpu.memory_space<hbm>>) target(%arg7 : memref<12800xi32, #tpu.memory_space<vmem>>) target_semaphore(%run_scoped3A : memref<!tpu.dma_semaphore, #tpu.memory_space<semaphore_mem>>)
      %dma_wait3A_11 = tpu.memref_slice %arg2[%mul3A_2] : memref<409600xi32, #tpu.memory_space<hbm>> -> memref<12800xi32, #tpu.memory_space<hbm>>
      %dma_wait3A_12 = tpu.memref_slice %arg2[%mul3A_2] : memref<409600xi32, #tpu.memory_space<hbm>> -> memref<12800xi32, #tpu.memory_space<hbm>>
      tpu.wait_dma2 semaphore(%run_scoped3A : memref<!tpu.dma_semaphore, #tpu.memory_space<semaphore_mem>>) src(%dma_wait3A_12 : memref<12800xi32, #tpu.memory_space<hbm>>) dst(%arg7 : memref<12800xi32, #tpu.memory_space<vmem>>)
      tpu.yield
    }) : () -> ()
    %dma_start3A = arith.constant 0 : i32
    %dma_start3A_3 = tpu.memref_slice %arg3[%dma_start3A] : memref<1000000xf32, #tpu.memory_space<hbm>> -> memref<1000000xf32, #tpu.memory_space<hbm>>
    tpu.enqueue_indirect_dma source(%dma_start3A_3 : memref<1000000xf32, #tpu.memory_space<hbm>>) target(%arg8 : memref<12800xf32, #tpu.memory_space<vmem>>) offsets(%arg7 : memref<12800xi32, #tpu.memory_space<vmem>>) semaphore(%arg10 : memref<!tpu.dma_semaphore, #tpu.memory_space<semaphore_mem>>)
    %dma_start3A_4 = arith.constant 0 : i32
    %dma_start3A_5 = tpu.memref_slice %arg4[%dma_start3A_4] : memref<1000000xf32, #tpu.memory_space<hbm>> -> memref<1000000xf32, #tpu.memory_space<hbm>>
    tpu.enqueue_indirect_dma source(%dma_start3A_5 : memref<1000000xf32, #tpu.memory_space<hbm>>) target(%arg9 : memref<12800xf32, #tpu.memory_space<vmem>>) offsets(%arg7 : memref<12800xi32, #tpu.memory_space<vmem>>) semaphore(%arg11 : memref<!tpu.dma_semaphore, #tpu.memory_space<semaphore_mem>>)
    %dma_wait3A = arith.constant 0 : i32
    %dma_wait3A_6 = tpu.memref_slice %arg3[%dma_wait3A] : memref<1000000xf32, #tpu.memory_space<hbm>> -> memref<1000000xf32, #tpu.memory_space<hbm>>
    tpu.wait_indirect_dma semaphore(%arg10 : memref<!tpu.dma_semaphore, #tpu.memory_space<semaphore_mem>>) src(%dma_wait3A_6 : memref<1000000xf32, #tpu.memory_space<hbm>>) dst(%arg8 : memref<12800xf32, #tpu.memory_space<vmem>>)
    %dma_wait3A_7 = arith.constant 0 : i32
    %dma_wait3A_8 = tpu.memref_slice %arg4[%dma_wait3A_7] : memref<1000000xf32, #tpu.memory_space<hbm>> -> memref<1000000xf32, #tpu.memory_space<hbm>>
    tpu.wait_indirect_dma semaphore(%arg11 : memref<!tpu.dma_semaphore, #tpu.memory_space<semaphore_mem>>) src(%dma_wait3A_8 : memref<1000000xf32, #tpu.memory_space<hbm>>) dst(%arg9 : memref<12800xf32, #tpu.memory_space<vmem>>)
    "tpu.region"() ({
      %run_scoped3A = tpu.sem_alloc : memref<!tpu.dma_semaphore, #tpu.memory_space<semaphore_mem>>
      %dma_start3A_9 = tpu.memref_slice %arg5[%mul3A_2] : memref<409600xf32, #tpu.memory_space<hbm>> -> memref<12800xf32, #tpu.memory_space<hbm>>
      %dma_start3A_10 = tpu.memref_slice %arg5[%mul3A_2] : memref<409600xf32, #tpu.memory_space<hbm>> -> memref<12800xf32, #tpu.memory_space<hbm>>
      tpu.enqueue_dma source(%arg8 : memref<12800xf32, #tpu.memory_space<vmem>>) target(%dma_start3A_10 : memref<12800xf32, #tpu.memory_space<hbm>>) target_semaphore(%run_scoped3A : memref<!tpu.dma_semaphore, #tpu.memory_space<semaphore_mem>>)
      %dma_wait3A_11 = tpu.memref_slice %arg5[%mul3A_2] : memref<409600xf32, #tpu.memory_space<hbm>> -> memref<12800xf32, #tpu.memory_space<hbm>>
      %dma_wait3A_12 = tpu.memref_slice %arg5[%mul3A_2] : memref<409600xf32, #tpu.memory_space<hbm>> -> memref<12800xf32, #tpu.memory_space<hbm>>
      tpu.wait_dma2 semaphore(%run_scoped3A : memref<!tpu.dma_semaphore, #tpu.memory_space<semaphore_mem>>) src(%arg8 : memref<12800xf32, #tpu.memory_space<vmem>>) dst(%dma_wait3A_12 : memref<12800xf32, #tpu.memory_space<hbm>>)
      tpu.yield
    }) : () -> ()
    "tpu.region"() ({
      %run_scoped3A = tpu.sem_alloc : memref<!tpu.dma_semaphore, #tpu.memory_space<semaphore_mem>>
      %dma_start3A_9 = tpu.memref_slice %arg6[%mul3A_2] : memref<409600xf32, #tpu.memory_space<hbm>> -> memref<12800xf32, #tpu.memory_space<hbm>>
      %dma_start3A_10 = tpu.memref_slice %arg6[%mul3A_2] : memref<409600xf32, #tpu.memory_space<hbm>> -> memref<12800xf32, #tpu.memory_space<hbm>>
      tpu.enqueue_dma source(%arg9 : memref<12800xf32, #tpu.memory_space<vmem>>) target(%dma_start3A_10 : memref<12800xf32, #tpu.memory_space<hbm>>) target_semaphore(%run_scoped3A : memref<!tpu.dma_semaphore, #tpu.memory_space<semaphore_mem>>)
      %dma_wait3A_11 = tpu.memref_slice %arg6[%mul3A_2] : memref<409600xf32, #tpu.memory_space<hbm>> -> memref<12800xf32, #tpu.memory_space<hbm>>
      %dma_wait3A_12 = tpu.memref_slice %arg6[%mul3A_2] : memref<409600xf32, #tpu.memory_space<hbm>> -> memref<12800xf32, #tpu.memory_space<hbm>>
      tpu.wait_dma2 semaphore(%run_scoped3A : memref<!tpu.dma_semaphore, #tpu.memory_space<semaphore_mem>>) src(%arg9 : memref<12800xf32, #tpu.memory_space<vmem>>) dst(%dma_wait3A_12 : memref<12800xf32, #tpu.memory_space<hbm>>)
      tpu.yield
    }) : () -> ()
    return
  }
}

#map = affine_map<(d0, d1) -> (0)>
module attributes {stable_mosaic.version = 14 : i64} {
  func.func @_sc_gather(%arg0: i32, %arg1: i32, %arg2: memref<409600xi32, #tpu.memory_space<hbm>>, %arg3: memref<1000000xf32, #tpu.memory_space<hbm>>, %arg4: memref<1000000xf32, #tpu.memory_space<hbm>>, %arg5: memref<409600xf32, #tpu.memory_space<hbm>>, %arg6: memref<409600xf32, #tpu.memory_space<hbm>>, %arg7: memref<12800xi32, #tpu.memory_space<vmem>>, %arg8: memref<12800xf32, #tpu.memory_space<vmem>>, %arg9: memref<12800xf32, #tpu.memory_space<vmem>>, %arg10: memref<!tpu.dma_semaphore, #tpu.memory_space<semaphore_mem>>, %arg11: memref<!tpu.dma_semaphore, #tpu.memory_space<semaphore_mem>>) attributes {dimension_semantics = [#tpu.dimension_semantics<core_parallel>, #tpu.dimension_semantics<subcore_parallel>], iteration_bounds = array<i64: 2, 16>, scalar_prefetch = 0 : i64, scratch_operands = 5 : i64, tpu.core_type = #tpu.core_type<sc_vector_subcore>, window_params = [{transform_indices = #map}, {transform_indices = #map}, {transform_indices = #map}, {transform_indices = #map}, {transform_indices = #map}]} {
    %mul3A = arith.constant 2 : i32
    %mul3A_0 = arith.muli %arg1, %mul3A : i32
    %add3A = arith.addi %mul3A_0, %arg0 : i32
    %mul3A_1 = arith.constant 12800 : i32
    %mul3A_2 = arith.muli %add3A, %mul3A_1 : i32
    "tpu.region"() ({
      %run_scoped3A = tpu.sem_alloc : memref<!tpu.dma_semaphore, #tpu.memory_space<semaphore_mem>>
      %dma_start3A_9 = tpu.memref_slice %arg2[%mul3A_2] : memref<409600xi32, #tpu.memory_space<hbm>> -> memref<12800xi32, #tpu.memory_space<hbm>>
      %dma_start3A_10 = tpu.memref_slice %arg2[%mul3A_2] : memref<409600xi32, #tpu.memory_space<hbm>> -> memref<12800xi32, #tpu.memory_space<hbm>>
      tpu.enqueue_dma source(%dma_start3A_10 : memref<12800xi32, #tpu.memory_space<hbm>>) target(%arg7 : memref<12800xi32, #tpu.memory_space<vmem>>) target_semaphore(%run_scoped3A : memref<!tpu.dma_semaphore, #tpu.memory_space<semaphore_mem>>)
      %dma_wait3A_11 = tpu.memref_slice %arg2[%mul3A_2] : memref<409600xi32, #tpu.memory_space<hbm>> -> memref<12800xi32, #tpu.memory_space<hbm>>
      %dma_wait3A_12 = tpu.memref_slice %arg2[%mul3A_2] : memref<409600xi32, #tpu.memory_space<hbm>> -> memref<12800xi32, #tpu.memory_space<hbm>>
      tpu.wait_dma2 semaphore(%run_scoped3A : memref<!tpu.dma_semaphore, #tpu.memory_space<semaphore_mem>>) src(%dma_wait3A_12 : memref<12800xi32, #tpu.memory_space<hbm>>) dst(%arg7 : memref<12800xi32, #tpu.memory_space<vmem>>)
      tpu.yield
    }) : () -> ()
    %dma_start3A = arith.constant 0 : i32
    %dma_start3A_3 = tpu.memref_slice %arg3[%dma_start3A] : memref<1000000xf32, #tpu.memory_space<hbm>> -> memref<1000000xf32, #tpu.memory_space<hbm>>
    tpu.enqueue_indirect_dma source(%dma_start3A_3 : memref<1000000xf32, #tpu.memory_space<hbm>>) target(%arg8 : memref<12800xf32, #tpu.memory_space<vmem>>) offsets(%arg7 : memref<12800xi32, #tpu.memory_space<vmem>>) semaphore(%arg10 : memref<!tpu.dma_semaphore, #tpu.memory_space<semaphore_mem>>)
    %dma_start3A_4 = arith.constant 0 : i32
    %dma_start3A_5 = tpu.memref_slice %arg4[%dma_start3A_4] : memref<1000000xf32, #tpu.memory_space<hbm>> -> memref<1000000xf32, #tpu.memory_space<hbm>>
    tpu.enqueue_indirect_dma source(%dma_start3A_5 : memref<1000000xf32, #tpu.memory_space<hbm>>) target(%arg9 : memref<12800xf32, #tpu.memory_space<vmem>>) offsets(%arg7 : memref<12800xi32, #tpu.memory_space<vmem>>) semaphore(%arg11 : memref<!tpu.dma_semaphore, #tpu.memory_space<semaphore_mem>>)
    %dma_wait3A = arith.constant 0 : i32
    %dma_wait3A_6 = tpu.memref_slice %arg3[%dma_wait3A] : memref<1000000xf32, #tpu.memory_space<hbm>> -> memref<1000000xf32, #tpu.memory_space<hbm>>
    tpu.wait_indirect_dma semaphore(%arg10 : memref<!tpu.dma_semaphore, #tpu.memory_space<semaphore_mem>>) src(%dma_wait3A_6 : memref<1000000xf32, #tpu.memory_space<hbm>>) dst(%arg8 : memref<12800xf32, #tpu.memory_space<vmem>>)
    %dma_wait3A_7 = arith.constant 0 : i32
    %dma_wait3A_8 = tpu.memref_slice %arg4[%dma_wait3A_7] : memref<1000000xf32, #tpu.memory_space<hbm>> -> memref<1000000xf32, #tpu.memory_space<hbm>>
    tpu.wait_indirect_dma semaphore(%arg11 : memref<!tpu.dma_semaphore, #tpu.memory_space<semaphore_mem>>) src(%dma_wait3A_8 : memref<1000000xf32, #tpu.memory_space<hbm>>) dst(%arg9 : memref<12800xf32, #tpu.memory_space<vmem>>)
    "tpu.region"() ({
      %run_scoped3A = tpu.sem_alloc : memref<!tpu.dma_semaphore, #tpu.memory_space<semaphore_mem>>
      %dma_start3A_9 = tpu.memref_slice %arg5[%mul3A_2] : memref<409600xf32, #tpu.memory_space<hbm>> -> memref<12800xf32, #tpu.memory_space<hbm>>
      %dma_start3A_10 = tpu.memref_slice %arg5[%mul3A_2] : memref<409600xf32, #tpu.memory_space<hbm>> -> memref<12800xf32, #tpu.memory_space<hbm>>
      tpu.enqueue_dma source(%arg8 : memref<12800xf32, #tpu.memory_space<vmem>>) target(%dma_start3A_10 : memref<12800xf32, #tpu.memory_space<hbm>>) target_semaphore(%run_scoped3A : memref<!tpu.dma_semaphore, #tpu.memory_space<semaphore_mem>>)
      %dma_wait3A_11 = tpu.memref_slice %arg5[%mul3A_2] : memref<409600xf32, #tpu.memory_space<hbm>> -> memref<12800xf32, #tpu.memory_space<hbm>>
      %dma_wait3A_12 = tpu.memref_slice %arg5[%mul3A_2] : memref<409600xf32, #tpu.memory_space<hbm>> -> memref<12800xf32, #tpu.memory_space<hbm>>
      tpu.wait_dma2 semaphore(%run_scoped3A : memref<!tpu.dma_semaphore, #tpu.memory_space<semaphore_mem>>) src(%arg8 : memref<12800xf32, #tpu.memory_space<vmem>>) dst(%dma_wait3A_12 : memref<12800xf32, #tpu.memory_space<hbm>>)
      tpu.yield
    }) : () -> ()
    "tpu.region"() ({
      %run_scoped3A = tpu.sem_alloc : memref<!tpu.dma_semaphore, #tpu.memory_space<semaphore_mem>>
      %dma_start3A_9 = tpu.memref_slice %arg6[%mul3A_2] : memref<409600xf32, #tpu.memory_space<hbm>> -> memref<12800xf32, #tpu.memory_space<hbm>>
      %dma_start3A_10 = tpu.memref_slice %arg6[%mul3A_2] : memref<409600xf32, #tpu.memory_space<hbm>> -> memref<12800xf32, #tpu.memory_space<hbm>>
      tpu.enqueue_dma source(%arg9 : memref<12800xf32, #tpu.memory_space<vmem>>) target(%dma_start3A_10 : memref<12800xf32, #tpu.memory_space<hbm>>) target_semaphore(%run_scoped3A : memref<!tpu.dma_semaphore, #tpu.memory_space<semaphore_mem>>)
      %dma_wait3A_11 = tpu.memref_slice %arg6[%mul3A_2] : memref<409600xf32, #tpu.memory_space<hbm>> -> memref<12800xf32, #tpu.memory_space<hbm>>
      %dma_wait3A_12 = tpu.memref_slice %arg6[%mul3A_2] : memref<409600xf32, #tpu.memory_space<hbm>> -> memref<12800xf32, #tpu.memory_space<hbm>>
      tpu.wait_dma2 semaphore(%run_scoped3A : memref<!tpu.dma_semaphore, #tpu.memory_space<semaphore_mem>>) src(%arg9 : memref<12800xf32, #tpu.memory_space<vmem>>) dst(%dma_wait3A_12 : memref<12800xf32, #tpu.memory_space<hbm>>)
      tpu.yield
    }) : () -> ()
    return
  }
}

#map = affine_map<(d0, d1) -> (0)>
module attributes {stable_mosaic.version = 14 : i64} {
  func.func @_sc_gather(%arg0: i32, %arg1: i32, %arg2: memref<409600xi32, #tpu.memory_space<hbm>>, %arg3: memref<1000000xf32, #tpu.memory_space<hbm>>, %arg4: memref<1000000xf32, #tpu.memory_space<hbm>>, %arg5: memref<409600xf32, #tpu.memory_space<hbm>>, %arg6: memref<409600xf32, #tpu.memory_space<hbm>>, %arg7: memref<12800xi32, #tpu.memory_space<vmem>>, %arg8: memref<12800xf32, #tpu.memory_space<vmem>>, %arg9: memref<12800xf32, #tpu.memory_space<vmem>>, %arg10: memref<!tpu.dma_semaphore, #tpu.memory_space<semaphore_mem>>, %arg11: memref<!tpu.dma_semaphore, #tpu.memory_space<semaphore_mem>>) attributes {dimension_semantics = [#tpu.dimension_semantics<core_parallel>, #tpu.dimension_semantics<subcore_parallel>], iteration_bounds = array<i64: 2, 16>, scalar_prefetch = 0 : i64, scratch_operands = 5 : i64, tpu.core_type = #tpu.core_type<sc_vector_subcore>, window_params = [{transform_indices = #map}, {transform_indices = #map}, {transform_indices = #map}, {transform_indices = #map}, {transform_indices = #map}]} {
    %mul3A = arith.constant 2 : i32
    %mul3A_0 = arith.muli %arg1, %mul3A : i32
    %add3A = arith.addi %mul3A_0, %arg0 : i32
    %mul3A_1 = arith.constant 12800 : i32
    %mul3A_2 = arith.muli %add3A, %mul3A_1 : i32
    "tpu.region"() ({
      %run_scoped3A = tpu.sem_alloc : memref<!tpu.dma_semaphore, #tpu.memory_space<semaphore_mem>>
      %dma_start3A_9 = tpu.memref_slice %arg2[%mul3A_2] : memref<409600xi32, #tpu.memory_space<hbm>> -> memref<12800xi32, #tpu.memory_space<hbm>>
      %dma_start3A_10 = tpu.memref_slice %arg2[%mul3A_2] : memref<409600xi32, #tpu.memory_space<hbm>> -> memref<12800xi32, #tpu.memory_space<hbm>>
      tpu.enqueue_dma source(%dma_start3A_10 : memref<12800xi32, #tpu.memory_space<hbm>>) target(%arg7 : memref<12800xi32, #tpu.memory_space<vmem>>) target_semaphore(%run_scoped3A : memref<!tpu.dma_semaphore, #tpu.memory_space<semaphore_mem>>)
      %dma_wait3A_11 = tpu.memref_slice %arg2[%mul3A_2] : memref<409600xi32, #tpu.memory_space<hbm>> -> memref<12800xi32, #tpu.memory_space<hbm>>
      %dma_wait3A_12 = tpu.memref_slice %arg2[%mul3A_2] : memref<409600xi32, #tpu.memory_space<hbm>> -> memref<12800xi32, #tpu.memory_space<hbm>>
      tpu.wait_dma2 semaphore(%run_scoped3A : memref<!tpu.dma_semaphore, #tpu.memory_space<semaphore_mem>>) src(%dma_wait3A_12 : memref<12800xi32, #tpu.memory_space<hbm>>) dst(%arg7 : memref<12800xi32, #tpu.memory_space<vmem>>)
      tpu.yield
    }) : () -> ()
    %dma_start3A = arith.constant 0 : i32
    %dma_start3A_3 = tpu.memref_slice %arg3[%dma_start3A] : memref<1000000xf32, #tpu.memory_space<hbm>> -> memref<1000000xf32, #tpu.memory_space<hbm>>
    tpu.enqueue_indirect_dma source(%dma_start3A_3 : memref<1000000xf32, #tpu.memory_space<hbm>>) target(%arg8 : memref<12800xf32, #tpu.memory_space<vmem>>) offsets(%arg7 : memref<12800xi32, #tpu.memory_space<vmem>>) semaphore(%arg10 : memref<!tpu.dma_semaphore, #tpu.memory_space<semaphore_mem>>)
    %dma_start3A_4 = arith.constant 0 : i32
    %dma_start3A_5 = tpu.memref_slice %arg4[%dma_start3A_4] : memref<1000000xf32, #tpu.memory_space<hbm>> -> memref<1000000xf32, #tpu.memory_space<hbm>>
    tpu.enqueue_indirect_dma source(%dma_start3A_5 : memref<1000000xf32, #tpu.memory_space<hbm>>) target(%arg9 : memref<12800xf32, #tpu.memory_space<vmem>>) offsets(%arg7 : memref<12800xi32, #tpu.memory_space<vmem>>) semaphore(%arg11 : memref<!tpu.dma_semaphore, #tpu.memory_space<semaphore_mem>>)
    %dma_wait3A = arith.constant 0 : i32
    %dma_wait3A_6 = tpu.memref_slice %arg3[%dma_wait3A] : memref<1000000xf32, #tpu.memory_space<hbm>> -> memref<1000000xf32, #tpu.memory_space<hbm>>
    tpu.wait_indirect_dma semaphore(%arg10 : memref<!tpu.dma_semaphore, #tpu.memory_space<semaphore_mem>>) src(%dma_wait3A_6 : memref<1000000xf32, #tpu.memory_space<hbm>>) dst(%arg8 : memref<12800xf32, #tpu.memory_space<vmem>>)
    %dma_wait3A_7 = arith.constant 0 : i32
    %dma_wait3A_8 = tpu.memref_slice %arg4[%dma_wait3A_7] : memref<1000000xf32, #tpu.memory_space<hbm>> -> memref<1000000xf32, #tpu.memory_space<hbm>>
    tpu.wait_indirect_dma semaphore(%arg11 : memref<!tpu.dma_semaphore, #tpu.memory_space<semaphore_mem>>) src(%dma_wait3A_8 : memref<1000000xf32, #tpu.memory_space<hbm>>) dst(%arg9 : memref<12800xf32, #tpu.memory_space<vmem>>)
    "tpu.region"() ({
      %run_scoped3A = tpu.sem_alloc : memref<!tpu.dma_semaphore, #tpu.memory_space<semaphore_mem>>
      %dma_start3A_9 = tpu.memref_slice %arg5[%mul3A_2] : memref<409600xf32, #tpu.memory_space<hbm>> -> memref<12800xf32, #tpu.memory_space<hbm>>
      %dma_start3A_10 = tpu.memref_slice %arg5[%mul3A_2] : memref<409600xf32, #tpu.memory_space<hbm>> -> memref<12800xf32, #tpu.memory_space<hbm>>
      tpu.enqueue_dma source(%arg8 : memref<12800xf32, #tpu.memory_space<vmem>>) target(%dma_start3A_10 : memref<12800xf32, #tpu.memory_space<hbm>>) target_semaphore(%run_scoped3A : memref<!tpu.dma_semaphore, #tpu.memory_space<semaphore_mem>>)
      %dma_wait3A_11 = tpu.memref_slice %arg5[%mul3A_2] : memref<409600xf32, #tpu.memory_space<hbm>> -> memref<12800xf32, #tpu.memory_space<hbm>>
      %dma_wait3A_12 = tpu.memref_slice %arg5[%mul3A_2] : memref<409600xf32, #tpu.memory_space<hbm>> -> memref<12800xf32, #tpu.memory_space<hbm>>
      tpu.wait_dma2 semaphore(%run_scoped3A : memref<!tpu.dma_semaphore, #tpu.memory_space<semaphore_mem>>) src(%arg8 : memref<12800xf32, #tpu.memory_space<vmem>>) dst(%dma_wait3A_12 : memref<12800xf32, #tpu.memory_space<hbm>>)
      tpu.yield
    }) : () -> ()
    "tpu.region"() ({
      %run_scoped3A = tpu.sem_alloc : memref<!tpu.dma_semaphore, #tpu.memory_space<semaphore_mem>>
      %dma_start3A_9 = tpu.memref_slice %arg6[%mul3A_2] : memref<409600xf32, #tpu.memory_space<hbm>> -> memref<12800xf32, #tpu.memory_space<hbm>>
      %dma_start3A_10 = tpu.memref_slice %arg6[%mul3A_2] : memref<409600xf32, #tpu.memory_space<hbm>> -> memref<12800xf32, #tpu.memory_space<hbm>>
      tpu.enqueue_dma source(%arg9 : memref<12800xf32, #tpu.memory_space<vmem>>) target(%dma_start3A_10 : memref<12800xf32, #tpu.memory_space<hbm>>) target_semaphore(%run_scoped3A : memref<!tpu.dma_semaphore, #tpu.memory_space<semaphore_mem>>)
      %dma_wait3A_11 = tpu.memref_slice %arg6[%mul3A_2] : memref<409600xf32, #tpu.memory_space<hbm>> -> memref<12800xf32, #tpu.memory_space<hbm>>
      %dma_wait3A_12 = tpu.memref_slice %arg6[%mul3A_2] : memref<409600xf32, #tpu.memory_space<hbm>> -> memref<12800xf32, #tpu.memory_space<hbm>>
      tpu.wait_dma2 semaphore(%run_scoped3A : memref<!tpu.dma_semaphore, #tpu.memory_space<semaphore_mem>>) src(%arg9 : memref<12800xf32, #tpu.memory_space<vmem>>) dst(%dma_wait3A_12 : memref<12800xf32, #tpu.memory_space<hbm>>)
      tpu.yield
    }) : () -> ()
    return
  }
}

module attributes {stable_mosaic.version = 14 : i64} {
  func.func @_tower_body(%arg0: i32, %arg1: memref<1024x100xf32, #tpu.memory_space<vmem>>, %arg2: memref<1024x100xf32, #tpu.memory_space<vmem>>, %arg3: memref<1024xf32, #tpu.memory_space<vmem>>, %arg4: memref<1x1xf32, #tpu.memory_space<smem>>, %arg5: memref<100x512xf32, #tpu.memory_space<vmem>>, %arg6: memref<1x512xf32, #tpu.memory_space<vmem>>, %arg7: memref<512x256xf32, #tpu.memory_space<vmem>>, %arg8: memref<1x256xf32, #tpu.memory_space<vmem>>, %arg9: memref<1x256xf32, #tpu.memory_space<vmem>>, %arg10: memref<1024xf32, #tpu.memory_space<vmem>>, %arg11: memref<2xf32, #tpu.memory_space<smem>>, %arg12: memref<2xf32, #tpu.memory_space<smem>>) attributes {dimension_semantics = [#tpu.dimension_semantics<arbitrary>], iteration_bounds = array<i64: 4>, scalar_prefetch = 0 : i64, scratch_operands = 1 : i64, tpu.core_type = #tpu.core_type<tc>, window_params = [{transform_indices = @transform_0, window_bounds = array<i64: 1024, 100>}, {transform_indices = @transform_1, window_bounds = array<i64: 1024, 100>}, {transform_indices = @transform_2, window_bounds = array<i64: 1024>}, {transform_indices = @transform_3, window_bounds = array<i64: 1, 1>}, {pipeline_mode = #tpu.pipeline_mode<synchronous>, transform_indices = @transform_4, window_bounds = array<i64: 100, 512>}, {pipeline_mode = #tpu.pipeline_mode<synchronous>, transform_indices = @transform_5, window_bounds = array<i64: 1, 512>}, {pipeline_mode = #tpu.pipeline_mode<synchronous>, transform_indices = @transform_6, window_bounds = array<i64: 512, 256>}, {pipeline_mode = #tpu.pipeline_mode<synchronous>, transform_indices = @transform_7, window_bounds = array<i64: 1, 256>}, {pipeline_mode = #tpu.pipeline_mode<synchronous>, transform_indices = @transform_8, window_bounds = array<i64: 1, 256>}, {transform_indices = @transform_9, window_bounds = array<i64: 1024>}, {transform_indices = @transform_10, window_bounds = array<i64: 2>}]} {
    %get3A = arith.constant 0 : index
    %get3A_0 = arith.constant 0 : index
    %get3A_1 = vector.load %arg1[%get3A, %get3A_0] : memref<1024x100xf32, #tpu.memory_space<vmem>>, vector<1024x100xf32>
    %get3A_2 = arith.constant 0 : index
    %get3A_3 = arith.constant 0 : index
    %get3A_4 = vector.load %arg5[%get3A_2, %get3A_3] : memref<100x512xf32, #tpu.memory_space<vmem>>, vector<100x512xf32>
    %dot_general3A = arith.constant dense<0.000000e+00> : vector<1024x512xf32>
    %dot_general3A_5 = tpu.matmul %get3A_1, %get3A_4, %dot_general3A {dimension_numbers = #tpu.dot_dimension_numbers<[1], [0], [0], [1], [0, 0, 1, 1], [], []>, transpose_lhs_hint = false} : vector<1024x100xf32>, vector<100x512xf32>, vector<1024x512xf32> -> vector<1024x512xf32>
    %get3A_6 = arith.constant 0 : index
    %get3A_7 = arith.constant 0 : index
    %get3A_8 = vector.load %arg6[%get3A_6, %get3A_7] : memref<1x512xf32, #tpu.memory_space<vmem>>, vector<1x512xf32>
    %add3A = vector.broadcast %get3A_8 : vector<1x512xf32> to vector<1024x512xf32>
    %add3A_9 = arith.addf %dot_general3A_5, %add3A : vector<1024x512xf32>
    %max3A = arith.constant 0.000000e+00 : f32
    %max3A_10 = vector.broadcast %max3A : f32 to vector<1024x512xf32>
    %max3A_11 = arith.maximumf %add3A_9, %max3A_10 : vector<1024x512xf32>
    %get3A_12 = arith.constant 0 : index
    %get3A_13 = arith.constant 0 : index
    %get3A_14 = vector.load %arg7[%get3A_12, %get3A_13] : memref<512x256xf32, #tpu.memory_space<vmem>>, vector<512x256xf32>
    %dot_general3A_15 = arith.constant dense<0.000000e+00> : vector<1024x256xf32>
    %dot_general3A_16 = tpu.matmul %max3A_11, %get3A_14, %dot_general3A_15 {dimension_numbers = #tpu.dot_dimension_numbers<[1], [0], [0], [1], [0, 0, 1, 1], [], []>, transpose_lhs_hint = false} : vector<1024x512xf32>, vector<512x256xf32>, vector<1024x256xf32> -> vector<1024x256xf32>
    %get3A_17 = arith.constant 0 : index
    %get3A_18 = arith.constant 0 : index
    %get3A_19 = vector.load %arg8[%get3A_17, %get3A_18] : memref<1x256xf32, #tpu.memory_space<vmem>>, vector<1x256xf32>
    %add3A_20 = vector.broadcast %get3A_19 : vector<1x256xf32> to vector<1024x256xf32>
    %add3A_21 = arith.addf %dot_general3A_16, %add3A_20 : vector<1024x256xf32>
    %max3A_22 = arith.constant 0.000000e+00 : f32
    %max3A_23 = vector.broadcast %max3A_22 : f32 to vector<1024x256xf32>
    %max3A_24 = arith.maximumf %add3A_21, %max3A_23 : vector<1024x256xf32>
    %get3A_25 = arith.constant 0 : index
    %get3A_26 = arith.constant 0 : index
    %get3A_27 = vector.load %arg9[%get3A_25, %get3A_26] : memref<1x256xf32, #tpu.memory_space<vmem>>, vector<1x256xf32>
    %mul3A = vector.broadcast %get3A_27 : vector<1x256xf32> to vector<1024x256xf32>
    %mul3A_28 = arith.mulf %max3A_24, %mul3A : vector<1024x256xf32>
    %reduce_sum3A = arith.constant dense<0.000000e+00> : vector<1024xf32>
    %reduce_sum3A_29 = vector.multi_reduction <add>, %mul3A_28, %reduce_sum3A [1] : vector<1024x256xf32> to vector<1024xf32>
    %reduce_sum3A_30 = arith.constant dense<0.000000e+00> : vector<1024xf32>
    %reduce_sum3A_31 = vector.multi_reduction <add>, %get3A_1, %reduce_sum3A_30 [1] : vector<1024x100xf32> to vector<1024xf32>
    %add3A_32 = arith.addf %reduce_sum3A_31, %reduce_sum3A_29 : vector<1024xf32>
    %get3A_33 = arith.constant 0 : index
    %get3A_34 = arith.constant 0 : index
    %get3A_35 = memref.load %arg4[%get3A_33, %get3A_34] : memref<1x1xf32, #tpu.memory_space<smem>>
    %add3A_36 = vector.broadcast %get3A_35 : f32 to vector<1024xf32>
    %add3A_37 = arith.addf %add3A_32, %add3A_36 : vector<1024xf32>
    %logistic3A = arith.negf %add3A_37 : vector<1024xf32>
    %logistic3A_38 = math.exp %logistic3A : vector<1024xf32>
    %logistic3A_39 = arith.constant 1.000000e+00 : f32
    %logistic3A_40 = vector.broadcast %logistic3A_39 : f32 to vector<1024xf32>
    %logistic3A_41 = arith.addf %logistic3A_40, %logistic3A_38 : vector<1024xf32>
    %logistic3A_42 = arith.divf %logistic3A_40, %logistic3A_41 : vector<1024xf32>
    %swap3A = arith.constant 0 : index
    %swap3A_43 = vector.load %arg10[%swap3A] : memref<1024xf32, #tpu.memory_space<vmem>>, vector<1024xf32>
    tpu.vector_store %arg10[%swap3A], %logistic3A_42 {strides = array<i32>} : memref<1024xf32, #tpu.memory_space<vmem>>, vector<1024xf32>,
    %get3A_44 = arith.constant 0 : index
    %get3A_45 = arith.constant 0 : index
    %get3A_46 = vector.load %arg2[%get3A_44, %get3A_45] : memref<1024x100xf32, #tpu.memory_space<vmem>>, vector<1024x100xf32>
    %reduce_sum3A_47 = arith.constant dense<0.000000e+00> : vector<1024xf32>
    %reduce_sum3A_48 = vector.multi_reduction <add>, %get3A_46, %reduce_sum3A_47 [1] : vector<1024x100xf32> to vector<1024xf32>
    %logistic3A_49 = arith.negf %reduce_sum3A_48 : vector<1024xf32>
    %logistic3A_50 = math.exp %logistic3A_49 : vector<1024xf32>
    %logistic3A_51 = arith.constant 1.000000e+00 : f32
    %logistic3A_52 = vector.broadcast %logistic3A_51 : f32 to vector<1024xf32>
    %logistic3A_53 = arith.addf %logistic3A_52, %logistic3A_50 : vector<1024xf32>
    %logistic3A_54 = arith.divf %logistic3A_52, %logistic3A_53 : vector<1024xf32>
    %add3A_55 = arith.constant 5.000000e-01 : f32
    %add3A_56 = vector.broadcast %add3A_55 : f32 to vector<1024xf32>
    %add3A_57 = arith.addf %logistic3A_54, %add3A_56 : vector<1024xf32>
    %max3A_58 = arith.constant 0.000000e+00 : f32
    %max3A_59 = vector.broadcast %max3A_58 : f32 to vector<1024xf32>
    %max3A_60 = arith.maximumf %add3A_37, %max3A_59 : vector<1024xf32>
    %get3A_61 = arith.constant 0 : index
    %get3A_62 = vector.load %arg3[%get3A_61] : memref<1024xf32, #tpu.memory_space<vmem>>, vector<1024xf32>
    %mul3A_63 = arith.mulf %add3A_37, %get3A_62 : vector<1024xf32>
    %sub3A = arith.subf %max3A_60, %mul3A_63 : vector<1024xf32>
    %abs3A = math.absf %add3A_37 : vector<1024xf32>
    %neg3A = arith.constant 0.000000e+00 : f32
    %neg3A_64 = vector.broadcast %neg3A : f32 to vector<1024xf32>
    %neg3A_65 = arith.subf %neg3A_64, %abs3A : vector<1024xf32>
    %exp3A = math.exp %neg3A_65 : vector<1024xf32>
    %log1p3A = math.log1p %exp3A : vector<1024xf32>
    %add3A_66 = arith.addf %sub3A, %log1p3A : vector<1024xf32>
    %mul3A_67 = arith.mulf %add3A_66, %add3A_57 : vector<1024xf32>
    %reduce_sum3A_68 = vector.shape_cast %mul3A_67 : vector<1024xf32> to vector<1x1024xf32>
    %reduce_sum3A_69 = arith.constant dense<0.000000e+00> : vector<1xf32>
    %reduce_sum3A_70 = vector.multi_reduction <add>, %reduce_sum3A_68, %reduce_sum3A_69 [1] : vector<1x1024xf32> to vector<1xf32>
    %reduce_sum3A_71 = vector.shape_cast %reduce_sum3A_70 : vector<1xf32> to vector<1x1xf32>
    %reduce_sum3A_72 = vector.extract %reduce_sum3A_71[0, 0] : f32 from vector<1x1xf32>
    %reduce_sum3A_73 = vector.shape_cast %add3A_57 : vector<1024xf32> to vector<1x1024xf32>
    %reduce_sum3A_74 = arith.constant dense<0.000000e+00> : vector<1xf32>
    %reduce_sum3A_75 = vector.multi_reduction <add>, %reduce_sum3A_73, %reduce_sum3A_74 [1] : vector<1x1024xf32> to vector<1xf32>
    %reduce_sum3A_76 = vector.shape_cast %reduce_sum3A_75 : vector<1xf32> to vector<1x1xf32>
    %reduce_sum3A_77 = vector.extract %reduce_sum3A_76[0, 0] : f32 from vector<1x1xf32>
    %eq3A = arith.constant 0 : i32
    %eq3A_78 = arith.cmpi eq, %arg0, %eq3A : i32
    %convert_element_type3A = arith.extui %eq3A_78 : i1 to i32
    %cond3A = arith.constant 0 : i32
    %cond3A_79 = arith.cmpi ne, %convert_element_type3A, %cond3A : i32
    scf.if %cond3A_79 {
      %swap3A_95 = arith.constant 0.000000e+00 : f32
      %swap3A_96 = arith.constant 0 : index
      %swap3A_97 = memref.load %arg12[%swap3A_96] : memref<2xf32, #tpu.memory_space<smem>>
      memref.store %swap3A_95, %arg12[%swap3A_96] : memref<2xf32, #tpu.memory_space<smem>>
      %swap3A_98 = arith.constant 0.000000e+00 : f32
      %swap3A_99 = arith.constant 1 : index
      %swap3A_100 = memref.load %arg12[%swap3A_99] : memref<2xf32, #tpu.memory_space<smem>>
      memref.store %swap3A_98, %arg12[%swap3A_99] : memref<2xf32, #tpu.memory_space<smem>>
    } else {
    }
    %get3A_80 = arith.constant 0 : index
    %get3A_81 = memref.load %arg12[%get3A_80] : memref<2xf32, #tpu.memory_space<smem>>
    %add3A_82 = arith.addf %get3A_81, %reduce_sum3A_72 : f32
    %swap3A_83 = arith.constant 0 : index
    %swap3A_84 = memref.load %arg12[%swap3A_83] : memref<2xf32, #tpu.memory_space<smem>>
    memref.store %add3A_82, %arg12[%swap3A_83] : memref<2xf32, #tpu.memory_space<smem>>
    %get3A_85 = arith.constant 1 : index
    %get3A_86 = memref.load %arg12[%get3A_85] : memref<2xf32, #tpu.memory_space<smem>>
    %add3A_87 = arith.addf %get3A_86, %reduce_sum3A_77 : f32
    %swap3A_88 = arith.constant 1 : index
    %swap3A_89 = memref.load %arg12[%swap3A_88] : memref<2xf32, #tpu.memory_space<smem>>
    memref.store %add3A_87, %arg12[%swap3A_88] : memref<2xf32, #tpu.memory_space<smem>>
    %eq3A_90 = arith.constant 3 : i32
    %eq3A_91 = arith.cmpi eq, %arg0, %eq3A_90 : i32
    %convert_element_type3A_92 = arith.extui %eq3A_91 : i1 to i32
    %cond3A_93 = arith.constant 0 : i32
    %cond3A_94 = arith.cmpi ne, %convert_element_type3A_92, %cond3A_93 : i32
    scf.if %cond3A_94 {
      %get3A_95 = arith.constant 0 : index
      %get3A_96 = memref.load %arg12[%get3A_95] : memref<2xf32, #tpu.memory_space<smem>>
      %swap3A_97 = arith.constant 0 : index
      %swap3A_98 = memref.load %arg11[%swap3A_97] : memref<2xf32, #tpu.memory_space<smem>>
      memref.store %get3A_96, %arg11[%swap3A_97] : memref<2xf32, #tpu.memory_space<smem>>
      %get3A_99 = arith.constant 1 : index
      %get3A_100 = memref.load %arg12[%get3A_99] : memref<2xf32, #tpu.memory_space<smem>>
      %swap3A_101 = arith.constant 1 : index
      %swap3A_102 = memref.load %arg11[%swap3A_101] : memref<2xf32, #tpu.memory_space<smem>>
      memref.store %get3A_100, %arg11[%swap3A_101] : memref<2xf32, #tpu.memory_space<smem>>
    } else {
    }
    return
  }
  func.func @transform_0(%arg0: i32) -> (i32, i32) {
    %c0_i32 = arith.constant 0 : i32
    %c0_i32_0 = arith.constant 0 : i32
    return %arg0, %c0_i32 : i32, i32
  }
  func.func @transform_1(%arg0: i32) -> (i32, i32) {
    %c0_i32 = arith.constant 0 : i32
    %c0_i32_0 = arith.constant 0 : i32
    return %arg0, %c0_i32 : i32, i32
  }
  func.func @transform_2(%arg0: i32) -> i32 {
    %c0_i32 = arith.constant 0 : i32
    return %arg0 : i32
  }
  func.func @transform_3(%arg0: i32) -> (i32, i32) {
    %c0_i32 = arith.constant 0 : i32
    %c0_i32_0 = arith.constant 0 : i32
    %c0_i32_1 = arith.constant 0 : i32
    return %c0_i32, %c0_i32_0 : i32, i32
  }
  func.func @transform_4(%arg0: i32) -> (i32, i32) {
    %c0_i32 = arith.constant 0 : i32
    %c0_i32_0 = arith.constant 0 : i32
    %c0_i32_1 = arith.constant 0 : i32
    return %c0_i32, %c0_i32_0 : i32, i32
  }
  func.func @transform_5(%arg0: i32) -> (i32, i32) {
    %c0_i32 = arith.constant 0 : i32
    %c0_i32_0 = arith.constant 0 : i32
    %c0_i32_1 = arith.constant 0 : i32
    return %c0_i32, %c0_i32_0 : i32, i32
  }
  func.func @transform_6(%arg0: i32) -> (i32, i32) {
    %c0_i32 = arith.constant 0 : i32
    %c0_i32_0 = arith.constant 0 : i32
    %c0_i32_1 = arith.constant 0 : i32
    return %c0_i32, %c0_i32_0 : i32, i32
  }
  func.func @transform_7(%arg0: i32) -> (i32, i32) {
    %c0_i32 = arith.constant 0 : i32
    %c0_i32_0 = arith.constant 0 : i32
    %c0_i32_1 = arith.constant 0 : i32
    return %c0_i32, %c0_i32_0 : i32, i32
  }
  func.func @transform_8(%arg0: i32) -> (i32, i32) {
    %c0_i32 = arith.constant 0 : i32
    %c0_i32_0 = arith.constant 0 : i32
    %c0_i32_1 = arith.constant 0 : i32
    return %c0_i32, %c0_i32_0 : i32, i32
  }
  func.func @transform_9(%arg0: i32) -> i32 {
    %c0_i32 = arith.constant 0 : i32
    return %arg0 : i32
  }
  func.func @transform_10(%arg0: i32) -> i32 {
    %c0_i32 = arith.constant 0 : i32
    %c0_i32_0 = arith.constant 0 : i32
    return %c0_i32 : i32
  }
}

</mosaic_0001>

<sc_bundles>
// kernel: kernel.10.cloned.1.call-start
scs
__scs_entry_jumppad:
0x0: {  	(pc) =	sbr.rel $0x88, $3  }
0x1: {  	(tag) =	ssettag $0x0;
	lr =	simm.s32 $0x1  }
0x2: {  	[smem:$0x3F96] =	sst lr;
	_ =	strace $0xD0000000  }
0x3: {  	_ = 	snop  }
0x4: {  	_ = 	snop  }
0x5: {  	_ = 	snop  }
0x6: {  	_ = 	snop  }
0x7: {  	_ = 	snop  }
__scs_overlays_trampoline_lowered:
0x8: {  	[smem:$0x3FA5] =	sst s0  }
0x9: {  	[smem:$0x3FA6] =	sst s1  }
0xa: {  	[smem:$0x3FA7] =	sst s2  }
0xb: {  	[smem:$0x3FA8] =	sst s3  }
0xc: {  	[smem:$0x3FA9] =	sst s4  }
0xd: {  	[smem:$0x3FAA] =	sst s5  }
0xe: {  	[smem:$0x3FAB] =	sst s6  }
0xf: {  	[smem:$0x3FAC] =	sst s7  }
0x10: {  	[smem:$0x3FAD] =	sst s8  }
0x11: {  	[smem:$0x3FAE] =	sst s9;
	s0 =	simm.s32 @!p0 $0x0  }
0x12: {  	s1 =	sld [smem:$0x3F94];
	s0 =	simm.s32 @p0 $0x1  }
0x13: {  	[smem:$0x3FAF] =	sst s0;
	s0 =	simm.s32 @!p1 $0x0  }
0x14: {  	s2 =	sld [smem:$0x3F93];
	s0 =	simm.s32 @p1 $0x1  }
0x15: {  	[smem:$0x3FB0] =	sst s0;
	s0 =	simm.s32 @!p2 $0x0  }
0x16: {  	s3 =	sld [smem:$0x3FDB];
	s0 =	simm.s32 @p2 $0x1  }
0x17: {  	s4 =	simm.s32 $0x1BF5;
	[smem:$0x3FB2] =	sst s0  }
0x18: {  	s0 =	sld [smem:$0x3F95];
	_ =	swait.ge [sflag:s4], $0x0  }
0x19: {  	s7 =	sld [smem:$0x3F96]  }
0x1a: {  	s8 =	sadd.s32 $0xFFFFE003, lr  }
0x1b: {  	s9 =	sadd.s32 $0xFFFFFEF7, lr;
	s5 =	simm.s32 $0xFFFFFFFF;
	p2 =	slt.u32 s8, $0xFFFFF086  }
0x1c: {  	p1 =	slt.u32 s9, $0xF7A;
	s5 =	simm.s32 @!p2 $0x0  }
0x1d: {  	s5 =	simm.s32 @p1 $0x1;
	p0 =	seq.s32 s7, s2  }
0x1e: {  	s7 =	smul.u32 @!p0 $0xF7A, s2;
	p2 =	seq.s32 @!p0 s5, $0x0  }
0x1f: {  	s9 =	smul.u32 $0xF7A, s1;
	s8 =	simm.s32 @!p0 $0x1BF5;
	p2 =	por !p2, p0  }
0x20: {  	[sflag:s8] =	ssyncset.s32 @!p0 $0xFFFFF086;
	s6 =	sadd.s32 @!p0 s3, s7;
	s7 =	simm.s32 @!p0 $0x108  }
0x21: {  	s3 =	sadd.s32 s3, s9;
	s6 =	sadd.s32 @!p0 $0x88, s6;
	s7 =	simm.s32 @p2 $0x1082  }
0x22: {  	[simem:s7], [sflag:s8] =	dma.local @!p0 [hbm:s6], $0xF7A  }
0x23: {  	s9 =	sor.u32 $0xD0000000, s2;
	s6 =	simm.s32 $0x108;
	_ =	swait.ge @!p0 [sflag:s8], $0x0  }
0x24: {  	s3 =	sadd.s32 $0x88, s3;
	s6 =	simm.s32 @!p1 $0x1082;
	[sflag:s4] =	ssyncset.s32 $0xFFFFF086  }
0x25: {  	[simem:s6], [sflag:s4] =	dma.local [hbm:s3], $0xF7A  }
0x26: {  	[smem:$0x3F96] =	sst s1;
	(tag) =	ssettag s2;
	_ =	strace s9  }
0x27: {  	s1 =	sld [smem:$0x3FA6]  }
0x28: {  	s2 =	sld [smem:$0x3FA7]  }
0x29: {  	s4 =	sld [smem:$0x3FA9]  }
0x2a: {  	p0 =	seq.s32 s5, $0x0;
	s5 =	sld [smem:$0x3FAA]  }
0x2b: {  	s6 =	sld [smem:$0x3FAB]  }
0x2c: {  	s7 =	sld [smem:$0x3FAC]  }
0x2d: {  	s3 =	simm.s32 $0x108;
	s8 =	sld [smem:$0x3FAD]  }
0x2e: {  	s3 =	simm.s32 @!p0 $0x1082;
	s9 =	sld [smem:$0x3FAE]  }
0x2f: {  	lr =	sadd.s32 s0, s3;
	s0 =	sld [smem:$0x3FA5]  }
0x30: {  	s3 =	sld [smem:$0x3FA8]  }
0x31: {  	[smem:$0x3FB1] =	sst s10  }
0x32: {  	s10 =	sld [smem:$0x3FAF];
	_ =	sdelay $0x3  }
0x33: {  	p0 =	seq.s32 s10, $0x1;
	s10 =	sld [smem:$0x3FB1];
	_ =	sdelay $0x3  }
0x34: {  	[smem:$0x3FB1] =	sst s10  }
0x35: {  	s10 =	sld [smem:$0x3FB0];
	_ =	sdelay $0x3  }
0x36: {  	p1 =	seq.s32 s10, $0x1;
	s10 =	sld [smem:$0x3FB1];
	_ =	sdelay $0x3  }
0x37: {  	[smem:$0x3FB1] =	sst s10  }
0x38: {  	s10 =	sld [smem:$0x3FB2]  }
0x39: {  	_ = 	snop;
	(pc) =	sbr.ind lr, $3  }
0x3a: {  	_ = 	snop  }
0x3b: {  	_ = 	snop  }
0x3c: {  	p2 =	seq.s32 s10, $0x1;
	s10 =	sld [smem:$0x3FB1]  }
0x3d: {  	_ =	shalt  }
0x3e: {  	_ =	shalt  }
0x3f: {  	_ =	shalt  }
0x40: {  	_ =	shalt  }
0x41: {  	_ =	shalt  }
0x42: {  	_ =	shalt  }
0x43: {  	_ =	shalt  }
0x44: {  	_ =	shalt  }
0x45: {  	_ =	shalt  }
0x46: {  	_ =	shalt  }
0x47: {  	_ =	shalt  }
0x48: {  	_ =	shalt  }
0x49: {  	_ =	shalt  }
0x4a: {  	_ =	shalt  }
0x4b: {  	_ =	shalt  }
0x4c: {  	_ =	shalt  }
0x4d: {  	_ =	shalt  }
0x4e: {  	_ =	shalt  }
0x4f: {  	_ =	shalt  }
0x50: {  	_ =	shalt  }
0x51: {  	_ =	shalt  }
0x52: {  	_ =	shalt  }
0x53: {  	_ =	shalt  }
0x54: {  	_ =	shalt  }
0x55: {  	_ =	shalt  }
0x56: {  	_ =	shalt  }
0x57: {  	_ =	shalt  }
0x58: {  	_ =	shalt  }
0x59: {  	_ =	shalt  }
0x5a: {  	_ =	shalt  }
0x5b: {  	_ =	shalt  }
0x5c: {  	_ =	shalt  }
0x5d: {  	_ =	shalt  }
0x5e: {  	_ =	shalt  }
0x5f: {  	_ =	shalt  }
0x60: {  	_ =	shalt  }
0x61: {  	_ =	shalt  }
0x62: {  	_ =	shalt  }
0x63: {  	_ =	shalt  }
0x64: {  	_ =	shalt  }
0x65: {  	_ =	shalt  }
0x66: {  	_ =	shalt  }
0x67: {  	_ =	shalt  }
0x68: {  	_ =	shalt  }
0x69: {  	_ =	shalt  }
0x6a: {  	_ =	shalt  }
0x6b: {  	_ =	shalt  }
0x6c: {  	_ =	shalt  }
0x6d: {  	_ =	shalt  }
0x6e: {  	_ =	shalt  }
0x6f: {  	_ =	shalt  }
0x70: {  	_ =	shalt  }
0x71: {  	_ =	shalt  }
0x72: {  	_ =	shalt  }
0x73: {  	_ =	shalt  }
0x74: {  	_ =	shalt  }
0x75: {  	_ =	shalt  }
0x76: {  	_ =	shalt  }
0x77: {  	_ =	shalt  }
0x78: {  	_ =	shalt  }
0x79: {  	_ =	shalt  }
0x7a: {  	_ =	shalt  }
0x7b: {  	_ =	shalt  }
0x7c: {  	_ =	shalt  }
0x7d: {  	_ =	shalt  }
0x7e: {  	_ =	shalt  }
0x7f: {  	_ =	shalt  }
0x80: {  	_ =	shalt  }
0x81: {  	_ =	shalt  }
0x82: {  	_ =	shalt  }
0x83: {  	_ =	shalt  }
0x84: {  	_ =	shalt  }
0x85: {  	_ =	shalt  }
0x86: {  	_ =	shalt  }
0x87: {  	_ =	shalt  }
.Lfunc_end0:
.L_simem_size_0:
called_computation_lowered:
.L_overlay_start_0:
0x88: {  	s2 =	sld [smem:$0x3FD9]  }
0x89: {  	s3 =	sld [smem:$0x3FFE];
	_ =	sdelay $0x1  }
0x8a: {  	s1 =	srdreg.scid  }
0x8b: {  	s0 =	sand.u32 $0x1, s1  }
0x8c: {  	s17 =	sshll.u32 s0, $0xA;
	s2 =	sadd.s32 s3, s2  }
0x8d: {  	s2 =	sadd.s32 s2, s17  }
0x8e: {  	[smem:$0x3FBD] =	sst s2  }
0x8f: {  	_ = 	snop  }
0x90: {  	s18 =	sld [smem:$0x3FC7]  }
0x91: {  	s4 =	sld [smem:$0x3FC6];
	(tm) =	ssettm $0x1  }
0x92: {  	s19 =	sld [smem:$0x3FFB];
	_ =	sdelay $0x3  }
0x93: {  	_ =	strace s19  }
0x94: {  	s2 =	sld [smem:$0x3FFC];
	_ =	sdelay $0x3  }
0x95: {  	_ =	strace s2  }
0x96: {  	s2 =	sld [smem:$0x3FFD];
	_ =	sdelay $0x3  }
0x97: {  	_ =	strace s2  }
0x98: {  	_ =	strace $0x8FFFFFFF  }
0x99: {  	s20 =	sld [smem:$0x3FDB];
	_ =	sdelay $0x1  }
0x9a: {  	s5 =	simm.s32 $_scs_section_size  }
0x9b: {  	s6 =	simm.s32 $_size__tile_overlayer_lowered;
	s7 =	simm.s32 $_tile_overlayer_lowered  }
0x9c: {  	s8 =	simm.s32 $0x1BFF;
	s21 =	sshll.u32 s7, $0x1;
	s5 =	sadd.s32 s5, s20  }
0x9d: {  	s22 =	simm.s32 $0x0;
	s6 =	sshll.u32 s6, $0x1;
	s7 =	sadd.s32 s21, s5  }
0x9e: {  	[timem:s22], [sflag:s8] =	dma.local [hbm:s7], s6  }
0x9f: {  	_ =	swait.ge [sflag:s8], s6  }
0xa0: {  	s6 =	ssub.s32 $0x0, s6;
	[sflag:s8] =	ssyncset.done $0x0  }
0xa1: {  	[sflag:s8] =	ssyncadd.s32 s6;
	_ =	sdelay $0x1  }
0xa2: {  	s23 =	simm.s32 $0x1B8B  }
0xa3: {  	_ =	swait.ge [sflag:s23], $0x1  }
0xa4: {  	[sflag:s23] =	ssyncset.done $0x0  }
0xa5: {  	[sflag:s23] =	ssyncadd.s32 $0xFFFFFFFF  }
0xa6: {  	s6 =	sld [smem:$0x0]  }
0xa7: {  	s7 =	sand.u32 $0xFFFFFFFE, s1  }
0xa8: {  	p0 =	sne.s32 s1, s7  }
0xa9: {  	s7 =	sshll.u32 @p0 s7, $0xE  }
0xaa: {  	s7 =	sadd.s32 @p0 $0x11B8D, s7;
	s8 =	sshll.u32 @p0 s6, $0x11  }
0xab: {  	s7 =	sor.u32 @p0 s8, s7  }
0xac: {  	[sflag:s7] =	ssyncadd.remote.s32 @p0 $0x1;
	_ =	sdelay $0x1  }
0xad: {  	s7 =	simm.s32 @p0 $0x1B8D  }
0xae: {  	_ =	swait.eq @p0 [sflag:s7], $0x1  }
0xaf: {  	[sflag:s7] =	ssyncadd.s32 @p0 $0xFFFFFFFF  }
0xb0: {  	s8 =	sshll.u32 @!p0 s1, $0xE  }
0xb1: {  	s8 =	sor.u32 @!p0 $0x4000, s8;
	s7 =	simm.s32 @!p0 $0x1B8D  }
0xb2: {  	s6 =	sshll.u32 @!p0 s6, $0x11;
	s8 =	sadd.s32 @!p0 $0x11B8D, s8;
	_ =	swait.eq @!p0 [sflag:s7], $0x1  }
0xb3: {  	s6 =	sor.u32 @!p0 s6, s8;
	[sflag:s7] =	ssyncadd.s32 @!p0 $0xFFFFFFFF  }
0xb4: {  	s25 =	simm.s32 $0x1B8E;
	s24 =	sld [smem:$0x3FFE];
	[sflag:s6] =	ssyncadd.remote.s32 @!p0 $0x1  }
0xb5: {  	s26 =	simm.s32 $execute0_lowered;
	[smem:$0x3FD2] =	sst s25  }
0xb6: {  	s7 =	sshll.u32 s26, $0x1;
	_ =	strace $0x8000004F;
	[dreg:$0x1] =	wrdreg $0xFFFFFFFF  }
0xb7: {  	s28 =	simm.s32 $_size_execute0_lowered;
	s5 =	sadd.s32 s5, s7;
	[dreg:$0x0] =	wrdreg $0x0  }
0xb8: {  	s7 =	sshll.u32 s28, $0x1;
	[dreg:$0x2] =	wrdreg s5  }
0xb9: {  	[dreg:$0x3] =	wrdreg s7  }
0xba: {  	[dreg:$0x4] =	wrdreg $0xC0  }
0xbb: {  	_ =	task [dreg:s22], $0x5FFFF  }
0xbc: {  	[dreg:$0x1] =	wrdreg $0xFFFFFFFF  }
0xbd: {  	[dreg:$0x0] =	wrdreg $0x60  }
0xbe: {  	[dreg:$0x2] =	wrdreg s24  }
0xbf: {  	[dreg:$0x3] =	wrdreg s18  }
0xc0: {  	[dreg:$0x4] =	wrdreg s4  }
0xc1: {  	[dreg:$0x5] =	wrdreg $0x9  }
0xc2: {  	_ =	task.clear_ibuf [dreg:s22], $0x6FFFF;
	_ =	strace $0x9000004F  }
0xc3: {  	s29 =	simm.s32 $0x9;
	_ =	strace $0x80000051  }
0xc4: {  	_ =	swait.ge [sflag:s29], $0x1  }
0xc5: {  	[sflag:s29] =	ssyncadd.s32 $0xFFFFFFFF  }
0xc6: {  	_ =	strace $0x90000051  }
0xc7: {  	_ =	sfence  }
0xc8: {  	s30 =	sld [smem:$0x0];
	_ =	sdelay $0x2  }
0xc9: {  	s31 =	sshll.u32 s1, $0xD;
	s1 =	sshrl.u32 s1, $0x2  }
0xca: {  	s4 =	sand.u32 $0x4000, s31;
	s1 =	sadd.s32 s1, s30  }
0xcb: {  	s0 =	sor.u32 s4, s0;
	s1 =	sshll.u32 s1, $0x11  }
0xcc: {  	s0 =	sor.u32 s1, s0  }
0xcd: {  	s0 =	sadd.s32 $0x8F2B, s0  }
0xce: {  	[sflag:s0] =	ssyncadd.remote.s32 $0x1  }
0xcf: {  	_ =	sfence.sel $0xFFFF  }
0xd0: {  	[dreg:$0x0] =	wrdreg $0xFFFFFFFF;
	(pc) =	sbr.abs _section_cstart, $3  }
0xd1: {  	[dreg:$0x1] =	wrdreg $0xFFFFFFFF  }
0xd2: {  	_ =	task.clear_ibuf [dreg:s22], $0x2FFFF;
	_ =	strace $0x9FFFFFFF  }
0xd3: {  	(tm) =	ssettm $0x7FFFFFFF  }
tec
execute0_lowered:
.L_overlay_start_1:
0x0: {  	(tag) =	ssettag $0x1  }
0x1: {  	s1 =	srdreg.scid;
	s0 =	stileid.u32  }
0x2: {  	s5 =	rddreg [dreg:$0x0];
	s11 =	sand.u32 $0x1, s1;
	s31 =	sshll.u32 s0, $0x1  }
0x3: {  	s2 =	rddreg [dreg:$0x1];
	s1 =	sor.u32 s11, s31  }
0x4: {  	s3 =	rddreg [dreg:$0x2];
	s4 =	simm.s32 $0x0;
	s6 =	smul.u32 $0x640, s1  }
0x5: {  	[smem:$0x7FF] =	sst s4  }
0x6: {  	s1 =	rddreg [dreg:$0x3];
	s12 =	sadd.s32 s6, s5  }
0x7: {  	_ =	strace $0x80000050;
	s5 =	simm.s32 $0x3;
	s6 =	sadd.s32 $0x74400, s12  }
0x8: {  	[tilespmem:s4], [sflag:$0x3] =	stream.linear.gather [hbm4b:s6+s4], $0x3200, $0x38;
	[tilespmem:$0x9600] =	vst v63  }
0x9: {  	_ =	swait.ge [sflag:s5], $0x3200  }
0xa: {  	[sflag:s5] =	ssyncset.done $0x0  }
0xb: {  	s7 =	simm.s32 $0x3200;
	[sflag:s5] =	ssyncadd.s32 $0xFFFFCE00  }
0xc: {  	[tilespmem:s7], [sflag:$0x1] =	stream.indirect.gather [hbm4b:s2+s7], $0x1, s4, s7, $0xb8;
	[tilespmem:$0x9600] =	vst v63  }
0xd: {  	s8 =	simm.s32 $0x6400;
	s9 =	simm.s32 $0x1  }
0xe: {  	[tilespmem:s8], [sflag:$0x2] =	stream.indirect.gather [hbm4b:s3+s7], $0x1, s4, s7, $0xb8;
	[tilespmem:$0x9600] =	vst v63  }
0xf: {  	_ =	swait.ge [sflag:s9], $0x3200  }
0x10: {  	[sflag:s9] =	ssyncset.done $0x0  }
0x11: {  	s10 =	simm.s32 $0x2;
	s13 =	ssub.s32 $0x2, s11;
	[sflag:s9] =	ssyncadd.s32 $0xFFFFCE00  }
0x12: {  	s14 =	sshrl.u32 s13, $0x1;
	_ =	swait.ge [sflag:s10], $0x3200  }
0x13: {  	s13 =	ssub.s32 s13, s14;
	[sflag:s10] =	ssyncset.done $0x0  }
0x14: {  	s13 =	smax.u32 s13, $0x1;
	s11 =	sadd.s32 $0x80C00, s12;
	[sflag:s10] =	ssyncadd.s32 $0xFFFFCE00  }
0x15: {  	[hbm4b:s11+s4] =	stream.linear.scatter [tilespmem:s7], [sflag:$0x3], $0x3200, $0x38;
	[tilespmem:$0x9600] =	vst v63  }
0x16: {  	p0 =	sne.s32 s13, $0x1;
	_ =	swait.ge [sflag:s5], $0x3200  }
.Ltmp0:
0x17: {  	[sflag:s5] =	ssyncset.done $0x0;
	(pc) =	sbr.rel @!p0 .LBB2_2-.Ltmp0, $4  }
0x18: {  	s12 =	sadd.s32 $0x8D400, s12;
	[sflag:s5] =	ssyncadd.s32 $0xFFFFCE00  }
0x19: {  	[hbm4b:s12+s4] =	stream.linear.scatter [tilespmem:s8], [sflag:$0x3], $0x3200, $0x38;
	[tilespmem:$0x9600] =	vst v63  }
0x1a: {  	_ =	swait.ge [sflag:s5], $0x3200  }
0x1b: {  	s13 =	sadd.s32 $0xFFFFFFFF, s13;
	[sflag:s5] =	ssyncset.done $0x0  }
.LBB2_1:
0x1c: {  	p0 =	sne.s32 s13, $0x1;
	s13 =	sadd.s32 $0xFFFFFFFF, s13;
	[sflag:s5] =	ssyncadd.s32 $0xFFFFCE00  }
0x1d: {  	[tilespmem:s4], [sflag:$0x3] =	stream.linear.gather [hbm4b:s6+s4], $0x3200, $0x38;
	[tilespmem:$0x9600] =	vst v63  }
0x1e: {  	_ =	swait.ge [sflag:s5], $0x3200  }
0x1f: {  	[sflag:s5] =	ssyncset.done $0x0  }
0x20: {  	[sflag:s5] =	ssyncadd.s32 $0xFFFFCE00  }
0x21: {  	[tilespmem:s7], [sflag:$0x1] =	stream.indirect.gather [hbm4b:s2+s7], $0x1, s4, s7, $0xb8;
	[tilespmem:$0x9600] =	vst v63  }
0x22: {  	_ = 	snop  }
0x23: {  	[tilespmem:s8], [sflag:$0x2] =	stream.indirect.gather [hbm4b:s3+s7], $0x1, s4, s7, $0xb8;
	[tilespmem:$0x9600] =	vst v63  }
0x24: {  	_ =	swait.ge [sflag:s9], $0x3200  }
0x25: {  	[sflag:s9] =	ssyncset.done $0x0  }
0x26: {  	[sflag:s9] =	ssyncadd.s32 $0xFFFFCE00  }
0x27: {  	_ =	swait.ge [sflag:s10], $0x3200  }
0x28: {  	[sflag:s10] =	ssyncset.done $0x0  }
0x29: {  	[sflag:s10] =	ssyncadd.s32 $0xFFFFCE00  }
0x2a: {  	[hbm4b:s11+s4] =	stream.linear.scatter [tilespmem:s7], [sflag:$0x3], $0x3200, $0x38;
	[tilespmem:$0x9600] =	vst v63  }
0x2b: {  	_ =	swait.ge [sflag:s5], $0x3200  }
.Ltmp1:
0x2c: {  	[sflag:s5] =	ssyncset.done $0x0;
	(pc) =	sbr.rel @p0 .LBB2_1-.Ltmp1, $4  }
0x2d: {  	[sflag:s5] =	ssyncadd.s32 $0xFFFFCE00  }
0x2e: {  	[hbm4b:s12+s4] =	stream.linear.scatter [tilespmem:s8], [sflag:$0x3], $0x3200, $0x38;
	[tilespmem:$0x9600] =	vst v63  }
0x2f: {  	_ =	swait.ge [sflag:s5], $0x3200  }
0x30: {  	[sflag:s5] =	ssyncset.done $0x0  }
.LBB2_2:
0x31: {  	[sflag:s5] =	ssyncadd.s32 $0xFFFFCE00  }
0x32: {  	_ =	sfence.sel $0x180000  }
0x33: {  	[bflag:$0x0] =	sbarrier.arrive $0xFFFF  }
0x34: {  	p0 =	sne.s32 s0, $0x0;
	_ =	strace $0x90000050  }
0x35: {  	s0 =	sadd.s32 @!p0 $0x100000, s1;
	[bflag:$0x2] =	sbarrier.arrive $0xFFFF  }
0x36: {  	[sflag:s0] =	ssyncadd.tile.s32 @!p0 $0x1;
	_ =	shalt  }
.Lfunc_end2:
_tile_overlayer_lowered:
.L_overlay_start_2:
0x37: {  	(tag) =	ssettag $0x2  }
0x38: {  	s0 =	rddreg [dreg:$0x0];
	s2 =	stileid.u32  }
0x39: {  	s1 =	rddreg [dreg:$0x1];
	p0 =	sne.s32 s2, $0x0  }
0x3a: {  	s3 =	rddreg [dreg:$0x2];
	[bflag:$0x3] =	sbarrier.arrive $0xFFFF;
	s2 =	simm.s32 @!p0 $0x1C03  }
0x3b: {  	[timem:s3], [sflag:s2] =	dma.local @!p0 [hbm:s0], s1  }
0x3c: {  	s0 =	simm.s32 @!p0 $0x3  }
0x3d: {  	_ =	swait.ge @!p0 [sflag:s0], s1  }
0x3e: {  	s1 =	ssub.s32 @!p0 $0x0, s1;
	[sflag:s0] =	ssyncset.done @!p0 $0x0  }
0x3f: {  	[sflag:s0] =	ssyncadd.s32 @!p0 s1  }
0x40: {  	[bflag:$0x3] =	sbarrier.arrive $0xFFFF  }
0x41: {  	_ =	shalt  }

// kernel: kernel.13.cloned.1.call-start
scs
__scs_entry_jumppad:
0x0: {  	(pc) =	sbr.rel $0x88, $3  }
0x1: {  	(tag) =	ssettag $0x0;
	lr =	simm.s32 $0x1  }
0x2: {  	[smem:$0x3F96] =	sst lr;
	_ =	strace $0xD0000000  }
0x3: {  	_ = 	snop  }
0x4: {  	_ = 	snop  }
0x5: {  	_ = 	snop  }
0x6: {  	_ = 	snop  }
0x7: {  	_ = 	snop  }
__scs_overlays_trampoline_lowered:
0x8: {  	[smem:$0x3FA5] =	sst s0  }
0x9: {  	[smem:$0x3FA6] =	sst s1  }
0xa: {  	[smem:$0x3FA7] =	sst s2  }
0xb: {  	[smem:$0x3FA8] =	sst s3  }
0xc: {  	[smem:$0x3FA9] =	sst s4  }
0xd: {  	[smem:$0x3FAA] =	sst s5  }
0xe: {  	[smem:$0x3FAB] =	sst s6  }
0xf: {  	[smem:$0x3FAC] =	sst s7  }
0x10: {  	[smem:$0x3FAD] =	sst s8  }
0x11: {  	[smem:$0x3FAE] =	sst s9;
	s0 =	simm.s32 @!p0 $0x0  }
0x12: {  	s1 =	sld [smem:$0x3F94];
	s0 =	simm.s32 @p0 $0x1  }
0x13: {  	[smem:$0x3FAF] =	sst s0;
	s0 =	simm.s32 @!p1 $0x0  }
0x14: {  	s2 =	sld [smem:$0x3F93];
	s0 =	simm.s32 @p1 $0x1  }
0x15: {  	[smem:$0x3FB0] =	sst s0;
	s0 =	simm.s32 @!p2 $0x0  }
0x16: {  	s3 =	sld [smem:$0x3FDB];
	s0 =	simm.s32 @p2 $0x1  }
0x17: {  	s4 =	simm.s32 $0x1BF5;
	[smem:$0x3FB2] =	sst s0  }
0x18: {  	s0 =	sld [smem:$0x3F95];
	_ =	swait.ge [sflag:s4], $0x0  }
0x19: {  	s7 =	sld [smem:$0x3F96]  }
0x1a: {  	s8 =	sadd.s32 $0xFFFFE003, lr  }
0x1b: {  	s9 =	sadd.s32 $0xFFFFFEF7, lr;
	s5 =	simm.s32 $0xFFFFFFFF;
	p2 =	slt.u32 s8, $0xFFFFF086  }
0x1c: {  	p1 =	slt.u32 s9, $0xF7A;
	s5 =	simm.s32 @!p2 $0x0  }
0x1d: {  	s5 =	simm.s32 @p1 $0x1;
	p0 =	seq.s32 s7, s2  }
0x1e: {  	s7 =	smul.u32 @!p0 $0xF7A, s2;
	p2 =	seq.s32 @!p0 s5, $0x0  }
0x1f: {  	s9 =	smul.u32 $0xF7A, s1;
	s8 =	simm.s32 @!p0 $0x1BF5;
	p2 =	por !p2, p0  }
0x20: {  	[sflag:s8] =	ssyncset.s32 @!p0 $0xFFFFF086;
	s6 =	sadd.s32 @!p0 s3, s7;
	s7 =	simm.s32 @!p0 $0x108  }
0x21: {  	s3 =	sadd.s32 s3, s9;
	s6 =	sadd.s32 @!p0 $0x88, s6;
	s7 =	simm.s32 @p2 $0x1082  }
0x22: {  	[simem:s7], [sflag:s8] =	dma.local @!p0 [hbm:s6], $0xF7A  }
0x23: {  	s9 =	sor.u32 $0xD0000000, s2;
	s6 =	simm.s32 $0x108;
	_ =	swait.ge @!p0 [sflag:s8], $0x0  }
0x24: {  	s3 =	sadd.s32 $0x88, s3;
	s6 =	simm.s32 @!p1 $0x1082;
	[sflag:s4] =	ssyncset.s32 $0xFFFFF086  }
0x25: {  	[simem:s6], [sflag:s4] =	dma.local [hbm:s3], $0xF7A  }
0x26: {  	[smem:$0x3F96] =	sst s1;
	(tag) =	ssettag s2;
	_ =	strace s9  }
0x27: {  	s1 =	sld [smem:$0x3FA6]  }
0x28: {  	s2 =	sld [smem:$0x3FA7]  }
0x29: {  	s4 =	sld [smem:$0x3FA9]  }
0x2a: {  	p0 =	seq.s32 s5, $0x0;
	s5 =	sld [smem:$0x3FAA]  }
0x2b: {  	s6 =	sld [smem:$0x3FAB]  }
0x2c: {  	s7 =	sld [smem:$0x3FAC]  }
0x2d: {  	s3 =	simm.s32 $0x108;
	s8 =	sld [smem:$0x3FAD]  }
0x2e: {  	s3 =	simm.s32 @!p0 $0x1082;
	s9 =	sld [smem:$0x3FAE]  }
0x2f: {  	lr =	sadd.s32 s0, s3;
	s0 =	sld [smem:$0x3FA5]  }
0x30: {  	s3 =	sld [smem:$0x3FA8]  }
0x31: {  	[smem:$0x3FB1] =	sst s10  }
0x32: {  	s10 =	sld [smem:$0x3FAF];
	_ =	sdelay $0x3  }
0x33: {  	p0 =	seq.s32 s10, $0x1;
	s10 =	sld [smem:$0x3FB1];
	_ =	sdelay $0x3  }
0x34: {  	[smem:$0x3FB1] =	sst s10  }
0x35: {  	s10 =	sld [smem:$0x3FB0];
	_ =	sdelay $0x3  }
0x36: {  	p1 =	seq.s32 s10, $0x1;
	s10 =	sld [smem:$0x3FB1];
	_ =	sdelay $0x3  }
0x37: {  	[smem:$0x3FB1] =	sst s10  }
0x38: {  	s10 =	sld [smem:$0x3FB2]  }
0x39: {  	_ = 	snop;
	(pc) =	sbr.ind lr, $3  }
0x3a: {  	_ = 	snop  }
0x3b: {  	_ = 	snop  }
0x3c: {  	p2 =	seq.s32 s10, $0x1;
	s10 =	sld [smem:$0x3FB1]  }
0x3d: {  	_ =	shalt  }
0x3e: {  	_ =	shalt  }
0x3f: {  	_ =	shalt  }
0x40: {  	_ =	shalt  }
0x41: {  	_ =	shalt  }
0x42: {  	_ =	shalt  }
0x43: {  	_ =	shalt  }
0x44: {  	_ =	shalt  }
0x45: {  	_ =	shalt  }
0x46: {  	_ =	shalt  }
0x47: {  	_ =	shalt  }
0x48: {  	_ =	shalt  }
0x49: {  	_ =	shalt  }
0x4a: {  	_ =	shalt  }
0x4b: {  	_ =	shalt  }
0x4c: {  	_ =	shalt  }
0x4d: {  	_ =	shalt  }
0x4e: {  	_ =	shalt  }
0x4f: {  	_ =	shalt  }
0x50: {  	_ =	shalt  }
0x51: {  	_ =	shalt  }
0x52: {  	_ =	shalt  }
0x53: {  	_ =	shalt  }
0x54: {  	_ =	shalt  }
0x55: {  	_ =	shalt  }
0x56: {  	_ =	shalt  }
0x57: {  	_ =	shalt  }
0x58: {  	_ =	shalt  }
0x59: {  	_ =	shalt  }
0x5a: {  	_ =	shalt  }
0x5b: {  	_ =	shalt  }
0x5c: {  	_ =	shalt  }
0x5d: {  	_ =	shalt  }
0x5e: {  	_ =	shalt  }
0x5f: {  	_ =	shalt  }
0x60: {  	_ =	shalt  }
0x61: {  	_ =	shalt  }
0x62: {  	_ =	shalt  }
0x63: {  	_ =	shalt  }
0x64: {  	_ =	shalt  }
0x65: {  	_ =	shalt  }
0x66: {  	_ =	shalt  }
0x67: {  	_ =	shalt  }
0x68: {  	_ =	shalt  }
0x69: {  	_ =	shalt  }
0x6a: {  	_ =	shalt  }
0x6b: {  	_ =	shalt  }
0x6c: {  	_ =	shalt  }
0x6d: {  	_ =	shalt  }
0x6e: {  	_ =	shalt  }
0x6f: {  	_ =	shalt  }
0x70: {  	_ =	shalt  }
0x71: {  	_ =	shalt  }
0x72: {  	_ =	shalt  }
0x73: {  	_ =	shalt  }
0x74: {  	_ =	shalt  }
0x75: {  	_ =	shalt  }
0x76: {  	_ =	shalt  }
0x77: {  	_ =	shalt  }
0x78: {  	_ =	shalt  }
0x79: {  	_ =	shalt  }
0x7a: {  	_ =	shalt  }
0x7b: {  	_ =	shalt  }
0x7c: {  	_ =	shalt  }
0x7d: {  	_ =	shalt  }
0x7e: {  	_ =	shalt  }
0x7f: {  	_ =	shalt  }
0x80: {  	_ =	shalt  }
0x81: {  	_ =	shalt  }
0x82: {  	_ =	shalt  }
0x83: {  	_ =	shalt  }
0x84: {  	_ =	shalt  }
0x85: {  	_ =	shalt  }
0x86: {  	_ =	shalt  }
0x87: {  	_ =	shalt  }
.Lfunc_end0:
.L_simem_size_0:
called_computation.1_lowered:
.L_overlay_start_0:
0x88: {  	s2 =	sld [smem:$0x3FD9]  }
0x89: {  	s3 =	sld [smem:$0x3FFE];
	_ =	sdelay $0x1  }
0x8a: {  	s1 =	srdreg.scid  }
0x8b: {  	s0 =	sand.u32 $0x1, s1  }
0x8c: {  	s17 =	sshll.u32 s0, $0xA;
	s2 =	sadd.s32 s3, s2  }
0x8d: {  	s2 =	sadd.s32 s2, s17  }
0x8e: {  	[smem:$0x3FBD] =	sst s2  }
0x8f: {  	_ = 	snop  }
0x90: {  	s2 =	sld [smem:$0x3FC7]  }
0x91: {  	s18 =	sld [smem:$0x3FC6];
	(tm) =	ssettm $0x1  }
0x92: {  	s4 =	sld [smem:$0x3FFB];
	_ =	sdelay $0x3  }
0x93: {  	_ =	strace s4  }
0x94: {  	s4 =	sld [smem:$0x3FFC];
	_ =	sdelay $0x3  }
0x95: {  	_ =	strace s4  }
0x96: {  	s4 =	sld [smem:$0x3FFD];
	_ =	sdelay $0x3  }
0x97: {  	_ =	strace s4  }
0x98: {  	_ =	strace $0x8FFFFFFF  }
0x99: {  	s19 =	sld [smem:$0x3FDB];
	_ =	sdelay $0x1  }
0x9a: {  	s5 =	simm.s32 $_scs_section_size  }
0x9b: {  	s6 =	simm.s32 $_size__tile_overlayer_lowered;
	s7 =	simm.s32 $_tile_overlayer_lowered  }
0x9c: {  	s22 =	simm.s32 $0x1BFF;
	s21 =	sshll.u32 s7, $0x1;
	s4 =	sadd.s32 s5, s19  }
0x9d: {  	s8 =	simm.s32 $0x0;
	s20 =	sshll.u32 s6, $0x1;
	s6 =	sadd.s32 s21, s4  }
0x9e: {  	[timem:s8], [sflag:s22] =	dma.local [hbm:s6], s20  }
0x9f: {  	_ =	swait.ge [sflag:s22], s20  }
0xa0: {  	s5 =	ssub.s32 $0x0, s20;
	[sflag:s22] =	ssyncset.done $0x0  }
0xa1: {  	[sflag:s22] =	ssyncadd.s32 s5;
	_ =	sdelay $0x1  }
0xa2: {  	s23 =	simm.s32 $0x1B8B  }
0xa3: {  	_ =	swait.ge [sflag:s23], $0x1  }
0xa4: {  	[sflag:s23] =	ssyncset.done $0x0  }
0xa5: {  	s25 =	simm.s32 $0x1B8E;
	s24 =	sld [smem:$0x3FFE];
	[sflag:s23] =	ssyncadd.s32 $0xFFFFFFFF  }
0xa6: {  	s26 =	simm.s32 $execute0_lowered;
	[smem:$0x3FD2] =	sst s25  }
0xa7: {  	s6 =	sshll.u32 s26, $0x1;
	_ =	strace $0x80000046;
	[dreg:$0x1] =	wrdreg $0xFFFFFFFF  }
0xa8: {  	s28 =	simm.s32 $_size_execute0_lowered;
	s4 =	sadd.s32 s4, s6;
	[dreg:$0x0] =	wrdreg $0x0  }
0xa9: {  	s6 =	sshll.u32 s28, $0x1;
	[dreg:$0x2] =	wrdreg s4  }
0xaa: {  	[dreg:$0x3] =	wrdreg s6  }
0xab: {  	[dreg:$0x4] =	wrdreg $0xC0  }
0xac: {  	_ =	task [dreg:s8], $0x5FFFF  }
0xad: {  	[dreg:$0x1] =	wrdreg $0xFFFFFFFF  }
0xae: {  	[dreg:$0x0] =	wrdreg $0x60  }
0xaf: {  	[dreg:$0x2] =	wrdreg s24  }
0xb0: {  	[dreg:$0x3] =	wrdreg s2  }
0xb1: {  	[dreg:$0x4] =	wrdreg s18  }
0xb2: {  	[dreg:$0x5] =	wrdreg $0xA  }
0xb3: {  	_ =	task.clear_ibuf [dreg:s8], $0x6FFFF;
	_ =	strace $0x90000046  }
0xb4: {  	s29 =	simm.s32 $0xA;
	_ =	strace $0x80000048  }
0xb5: {  	_ =	swait.ge [sflag:s29], $0x1  }
0xb6: {  	[sflag:s29] =	ssyncadd.s32 $0xFFFFFFFF  }
0xb7: {  	_ =	strace $0x90000048  }
0xb8: {  	_ =	sfence  }
0xb9: {  	s30 =	sld [smem:$0x0];
	_ =	sdelay $0x2  }
0xba: {  	s31 =	sshll.u32 s1, $0xD;
	s1 =	sshrl.u32 s1, $0x2  }
0xbb: {  	s3 =	sand.u32 $0x4000, s31;
	s1 =	sadd.s32 s1, s30  }
0xbc: {  	s0 =	sor.u32 s3, s0;
	s1 =	sshll.u32 s1, $0x11  }
0xbd: {  	s0 =	sor.u32 s1, s0  }
0xbe: {  	s0 =	sadd.s32 $0x8F2B, s0  }
0xbf: {  	[sflag:s0] =	ssyncadd.remote.s32 $0x1  }
0xc0: {  	_ =	sfence.sel $0xFFFF  }
0xc1: {  	[dreg:$0x0] =	wrdreg $0xFFFFFFFF;
	(pc) =	sbr.abs _section_cstart, $3  }
0xc2: {  	[dreg:$0x1] =	wrdreg $0xFFFFFFFF  }
0xc3: {  	_ =	task.clear_ibuf [dreg:s8], $0x2FFFF;
	_ =	strace $0x9FFFFFFF  }
0xc4: {  	(tm) =	ssettm $0x7FFFFFFF  }
0xc5: {  	_ =	shalt  }
tec
execute0_lowered:
.L_overlay_start_1:
0x0: {  	(tag) =	ssettag $0x1  }
0x1: {  	s1 =	srdreg.scid;
	s0 =	stileid.u32  }
0x2: {  	s5 =	rddreg [dreg:$0x0];
	s11 =	sand.u32 $0x1, s1;
	s31 =	sshll.u32 s0, $0x1  }
0x3: {  	s2 =	rddreg [dreg:$0x1];
	s1 =	sor.u32 s11, s31  }
0x4: {  	s3 =	rddreg [dreg:$0x2];
	s4 =	simm.s32 $0x0;
	s6 =	smul.u32 $0x640, s1  }
0x5: {  	[smem:$0x7FF] =	sst s4  }
0x6: {  	s1 =	rddreg [dreg:$0x3];
	s12 =	sadd.s32 s6, s5  }
0x7: {  	_ =	strace $0x80000047;
	s5 =	simm.s32 $0x3;
	s6 =	sadd.s32 $0x3C00, s12  }
0x8: {  	[tilespmem:s4], [sflag:$0x3] =	stream.linear.gather [hbm4b:s6+s4], $0x3200, $0x38;
	[tilespmem:$0x9600] =	vst v63  }
0x9: {  	_ =	swait.ge [sflag:s5], $0x3200  }
0xa: {  	[sflag:s5] =	ssyncset.done $0x0  }
0xb: {  	s7 =	simm.s32 $0x3200;
	[sflag:s5] =	ssyncadd.s32 $0xFFFFCE00  }
0xc: {  	[tilespmem:s7], [sflag:$0x1] =	stream.indirect.gather [hbm4b:s2+s7], $0x1, s4, s7, $0xb8;
	[tilespmem:$0x9600] =	vst v63  }
0xd: {  	s8 =	simm.s32 $0x6400;
	s9 =	simm.s32 $0x1  }
0xe: {  	[tilespmem:s8], [sflag:$0x2] =	stream.indirect.gather [hbm4b:s3+s7], $0x1, s4, s7, $0xb8;
	[tilespmem:$0x9600] =	vst v63  }
0xf: {  	_ =	swait.ge [sflag:s9], $0x3200  }
0x10: {  	[sflag:s9] =	ssyncset.done $0x0  }
0x11: {  	s10 =	simm.s32 $0x2;
	s13 =	ssub.s32 $0x2, s11;
	[sflag:s9] =	ssyncadd.s32 $0xFFFFCE00  }
0x12: {  	s14 =	sshrl.u32 s13, $0x1;
	_ =	swait.ge [sflag:s10], $0x3200  }
0x13: {  	s13 =	ssub.s32 s13, s14;
	[sflag:s10] =	ssyncset.done $0x0  }
0x14: {  	s13 =	smax.u32 s13, $0x1;
	s11 =	sadd.s32 $0x29400, s12;
	[sflag:s10] =	ssyncadd.s32 $0xFFFFCE00  }
0x15: {  	[hbm4b:s11+s4] =	stream.linear.scatter [tilespmem:s7], [sflag:$0x3], $0x3200, $0x38;
	[tilespmem:$0x9600] =	vst v63  }
0x16: {  	p0 =	sne.s32 s13, $0x1;
	_ =	swait.ge [sflag:s5], $0x3200  }
.Ltmp0:
0x17: {  	[sflag:s5] =	ssyncset.done $0x0;
	(pc) =	sbr.rel @!p0 .LBB2_2-.Ltmp0, $4  }
0x18: {  	s12 =	sadd.s32 $0x35C00, s12;
	[sflag:s5] =	ssyncadd.s32 $0xFFFFCE00  }
0x19: {  	[hbm4b:s12+s4] =	stream.linear.scatter [tilespmem:s8], [sflag:$0x3], $0x3200, $0x38;
	[tilespmem:$0x9600] =	vst v63  }
0x1a: {  	_ =	swait.ge [sflag:s5], $0x3200  }
0x1b: {  	s13 =	sadd.s32 $0xFFFFFFFF, s13;
	[sflag:s5] =	ssyncset.done $0x0  }
.LBB2_1:
0x1c: {  	p0 =	sne.s32 s13, $0x1;
	s13 =	sadd.s32 $0xFFFFFFFF, s13;
	[sflag:s5] =	ssyncadd.s32 $0xFFFFCE00  }
0x1d: {  	[tilespmem:s4], [sflag:$0x3] =	stream.linear.gather [hbm4b:s6+s4], $0x3200, $0x38;
	[tilespmem:$0x9600] =	vst v63  }
0x1e: {  	_ =	swait.ge [sflag:s5], $0x3200  }
0x1f: {  	[sflag:s5] =	ssyncset.done $0x0  }
0x20: {  	[sflag:s5] =	ssyncadd.s32 $0xFFFFCE00  }
0x21: {  	[tilespmem:s7], [sflag:$0x1] =	stream.indirect.gather [hbm4b:s2+s7], $0x1, s4, s7, $0xb8;
	[tilespmem:$0x9600] =	vst v63  }
0x22: {  	_ = 	snop  }
0x23: {  	[tilespmem:s8], [sflag:$0x2] =	stream.indirect.gather [hbm4b:s3+s7], $0x1, s4, s7, $0xb8;
	[tilespmem:$0x9600] =	vst v63  }
0x24: {  	_ =	swait.ge [sflag:s9], $0x3200  }
0x25: {  	[sflag:s9] =	ssyncset.done $0x0  }
0x26: {  	[sflag:s9] =	ssyncadd.s32 $0xFFFFCE00  }
0x27: {  	_ =	swait.ge [sflag:s10], $0x3200  }
0x28: {  	[sflag:s10] =	ssyncset.done $0x0  }
0x29: {  	[sflag:s10] =	ssyncadd.s32 $0xFFFFCE00  }
0x2a: {  	[hbm4b:s11+s4] =	stream.linear.scatter [tilespmem:s7], [sflag:$0x3], $0x3200, $0x38;
	[tilespmem:$0x9600] =	vst v63  }
0x2b: {  	_ =	swait.ge [sflag:s5], $0x3200  }
.Ltmp1:
0x2c: {  	[sflag:s5] =	ssyncset.done $0x0;
	(pc) =	sbr.rel @p0 .LBB2_1-.Ltmp1, $4  }
0x2d: {  	[sflag:s5] =	ssyncadd.s32 $0xFFFFCE00  }
0x2e: {  	[hbm4b:s12+s4] =	stream.linear.scatter [tilespmem:s8], [sflag:$0x3], $0x3200, $0x38;
	[tilespmem:$0x9600] =	vst v63  }
0x2f: {  	_ =	swait.ge [sflag:s5], $0x3200  }
0x30: {  	[sflag:s5] =	ssyncset.done $0x0  }
.LBB2_2:
0x31: {  	[sflag:s5] =	ssyncadd.s32 $0xFFFFCE00  }
0x32: {  	_ =	sfence.sel $0x180000  }
0x33: {  	[bflag:$0x0] =	sbarrier.arrive $0xFFFF  }
0x34: {  	p0 =	sne.s32 s0, $0x0;
	_ =	strace $0x90000047  }
0x35: {  	s0 =	sadd.s32 @!p0 $0x100000, s1;
	[bflag:$0x2] =	sbarrier.arrive $0xFFFF  }
0x36: {  	[sflag:s0] =	ssyncadd.tile.s32 @!p0 $0x1;
	_ =	shalt  }
.Lfunc_end2:
_tile_overlayer_lowered:
.L_overlay_start_2:
0x37: {  	(tag) =	ssettag $0x2  }
0x38: {  	s0 =	rddreg [dreg:$0x0];
	s2 =	stileid.u32  }
0x39: {  	s1 =	rddreg [dreg:$0x1];
	p0 =	sne.s32 s2, $0x0  }
0x3a: {  	s3 =	rddreg [dreg:$0x2];
	[bflag:$0x3] =	sbarrier.arrive $0xFFFF;
	s2 =	simm.s32 @!p0 $0x1C03  }
0x3b: {  	[timem:s3], [sflag:s2] =	dma.local @!p0 [hbm:s0], s1  }
0x3c: {  	s0 =	simm.s32 @!p0 $0x3  }
0x3d: {  	_ =	swait.ge @!p0 [sflag:s0], s1  }
0x3e: {  	s1 =	ssub.s32 @!p0 $0x0, s1;
	[sflag:s0] =	ssyncset.done @!p0 $0x0  }
0x3f: {  	[sflag:s0] =	ssyncadd.s32 @!p0 s1  }
0x40: {  	[bflag:$0x3] =	sbarrier.arrive $0xFFFF  }
0x41: {  	_ =	shalt  }

// kernel: kernel.16.cloned.1.call-start
scs
__scs_entry_jumppad:
0x0: {  	(pc) =	sbr.rel $0x88, $3  }
0x1: {  	(tag) =	ssettag $0x0;
	lr =	simm.s32 $0x1  }
0x2: {  	[smem:$0x3F96] =	sst lr;
	_ =	strace $0xD0000000  }
0x3: {  	_ = 	snop  }
0x4: {  	_ = 	snop  }
0x5: {  	_ = 	snop  }
0x6: {  	_ = 	snop  }
0x7: {  	_ = 	snop  }
__scs_overlays_trampoline_lowered:
0x8: {  	[smem:$0x3FA5] =	sst s0  }
0x9: {  	[smem:$0x3FA6] =	sst s1  }
0xa: {  	[smem:$0x3FA7] =	sst s2  }
0xb: {  	[smem:$0x3FA8] =	sst s3  }
0xc: {  	[smem:$0x3FA9] =	sst s4  }
0xd: {  	[smem:$0x3FAA] =	sst s5  }
0xe: {  	[smem:$0x3FAB] =	sst s6  }
0xf: {  	[smem:$0x3FAC] =	sst s7  }
0x10: {  	[smem:$0x3FAD] =	sst s8  }
0x11: {  	[smem:$0x3FAE] =	sst s9;
	s0 =	simm.s32 @!p0 $0x0  }
0x12: {  	s1 =	sld [smem:$0x3F94];
	s0 =	simm.s32 @p0 $0x1  }
0x13: {  	[smem:$0x3FAF] =	sst s0;
	s0 =	simm.s32 @!p1 $0x0  }
0x14: {  	s2 =	sld [smem:$0x3F93];
	s0 =	simm.s32 @p1 $0x1  }
0x15: {  	[smem:$0x3FB0] =	sst s0;
	s0 =	simm.s32 @!p2 $0x0  }
0x16: {  	s3 =	sld [smem:$0x3FDB];
	s0 =	simm.s32 @p2 $0x1  }
0x17: {  	s4 =	simm.s32 $0x1BF5;
	[smem:$0x3FB2] =	sst s0  }
0x18: {  	s0 =	sld [smem:$0x3F95];
	_ =	swait.ge [sflag:s4], $0x0  }
0x19: {  	s7 =	sld [smem:$0x3F96]  }
0x1a: {  	s8 =	sadd.s32 $0xFFFFE003, lr  }
0x1b: {  	s9 =	sadd.s32 $0xFFFFFEF7, lr;
	s5 =	simm.s32 $0xFFFFFFFF;
	p2 =	slt.u32 s8, $0xFFFFF086  }
0x1c: {  	p1 =	slt.u32 s9, $0xF7A;
	s5 =	simm.s32 @!p2 $0x0  }
0x1d: {  	s5 =	simm.s32 @p1 $0x1;
	p0 =	seq.s32 s7, s2  }
0x1e: {  	s7 =	smul.u32 @!p0 $0xF7A, s2;
	p2 =	seq.s32 @!p0 s5, $0x0  }
0x1f: {  	s9 =	smul.u32 $0xF7A, s1;
	s8 =	simm.s32 @!p0 $0x1BF5;
	p2 =	por !p2, p0  }
0x20: {  	[sflag:s8] =	ssyncset.s32 @!p0 $0xFFFFF086;
	s6 =	sadd.s32 @!p0 s3, s7;
	s7 =	simm.s32 @!p0 $0x108  }
0x21: {  	s3 =	sadd.s32 s3, s9;
	s6 =	sadd.s32 @!p0 $0x88, s6;
	s7 =	simm.s32 @p2 $0x1082  }
0x22: {  	[simem:s7], [sflag:s8] =	dma.local @!p0 [hbm:s6], $0xF7A  }
0x23: {  	s9 =	sor.u32 $0xD0000000, s2;
	s6 =	simm.s32 $0x108;
	_ =	swait.ge @!p0 [sflag:s8], $0x0  }
0x24: {  	s3 =	sadd.s32 $0x88, s3;
	s6 =	simm.s32 @!p1 $0x1082;
	[sflag:s4] =	ssyncset.s32 $0xFFFFF086  }
0x25: {  	[simem:s6], [sflag:s4] =	dma.local [hbm:s3], $0xF7A  }
0x26: {  	[smem:$0x3F96] =	sst s1;
	(tag) =	ssettag s2;
	_ =	strace s9  }
0x27: {  	s1 =	sld [smem:$0x3FA6]  }
0x28: {  	s2 =	sld [smem:$0x3FA7]  }
0x29: {  	s4 =	sld [smem:$0x3FA9]  }
0x2a: {  	p0 =	seq.s32 s5, $0x0;
	s5 =	sld [smem:$0x3FAA]  }
0x2b: {  	s6 =	sld [smem:$0x3FAB]  }
0x2c: {  	s7 =	sld [smem:$0x3FAC]  }
0x2d: {  	s3 =	simm.s32 $0x108;
	s8 =	sld [smem:$0x3FAD]  }
0x2e: {  	s3 =	simm.s32 @!p0 $0x1082;
	s9 =	sld [smem:$0x3FAE]  }
0x2f: {  	lr =	sadd.s32 s0, s3;
	s0 =	sld [smem:$0x3FA5]  }
0x30: {  	s3 =	sld [smem:$0x3FA8]  }
0x31: {  	[smem:$0x3FB1] =	sst s10  }
0x32: {  	s10 =	sld [smem:$0x3FAF];
	_ =	sdelay $0x3  }
0x33: {  	p0 =	seq.s32 s10, $0x1;
	s10 =	sld [smem:$0x3FB1];
	_ =	sdelay $0x3  }
0x34: {  	[smem:$0x3FB1] =	sst s10  }
0x35: {  	s10 =	sld [smem:$0x3FB0];
	_ =	sdelay $0x3  }
0x36: {  	p1 =	seq.s32 s10, $0x1;
	s10 =	sld [smem:$0x3FB1];
	_ =	sdelay $0x3  }
0x37: {  	[smem:$0x3FB1] =	sst s10  }
0x38: {  	s10 =	sld [smem:$0x3FB2]  }
0x39: {  	_ = 	snop;
	(pc) =	sbr.ind lr, $3  }
0x3a: {  	_ = 	snop  }
0x3b: {  	_ = 	snop  }
0x3c: {  	p2 =	seq.s32 s10, $0x1;
	s10 =	sld [smem:$0x3FB1]  }
0x3d: {  	_ =	shalt  }
0x3e: {  	_ =	shalt  }
0x3f: {  	_ =	shalt  }
0x40: {  	_ =	shalt  }
0x41: {  	_ =	shalt  }
0x42: {  	_ =	shalt  }
0x43: {  	_ =	shalt  }
0x44: {  	_ =	shalt  }
0x45: {  	_ =	shalt  }
0x46: {  	_ =	shalt  }
0x47: {  	_ =	shalt  }
0x48: {  	_ =	shalt  }
0x49: {  	_ =	shalt  }
0x4a: {  	_ =	shalt  }
0x4b: {  	_ =	shalt  }
0x4c: {  	_ =	shalt  }
0x4d: {  	_ =	shalt  }
0x4e: {  	_ =	shalt  }
0x4f: {  	_ =	shalt  }
0x50: {  	_ =	shalt  }
0x51: {  	_ =	shalt  }
0x52: {  	_ =	shalt  }
0x53: {  	_ =	shalt  }
0x54: {  	_ =	shalt  }
0x55: {  	_ =	shalt  }
0x56: {  	_ =	shalt  }
0x57: {  	_ =	shalt  }
0x58: {  	_ =	shalt  }
0x59: {  	_ =	shalt  }
0x5a: {  	_ =	shalt  }
0x5b: {  	_ =	shalt  }
0x5c: {  	_ =	shalt  }
0x5d: {  	_ =	shalt  }
0x5e: {  	_ =	shalt  }
0x5f: {  	_ =	shalt  }
0x60: {  	_ =	shalt  }
0x61: {  	_ =	shalt  }
0x62: {  	_ =	shalt  }
0x63: {  	_ =	shalt  }
0x64: {  	_ =	shalt  }
0x65: {  	_ =	shalt  }
0x66: {  	_ =	shalt  }
0x67: {  	_ =	shalt  }
0x68: {  	_ =	shalt  }
0x69: {  	_ =	shalt  }
0x6a: {  	_ =	shalt  }
0x6b: {  	_ =	shalt  }
0x6c: {  	_ =	shalt  }
0x6d: {  	_ =	shalt  }
0x6e: {  	_ =	shalt  }
0x6f: {  	_ =	shalt  }
0x70: {  	_ =	shalt  }
0x71: {  	_ =	shalt  }
0x72: {  	_ =	shalt  }
0x73: {  	_ =	shalt  }
0x74: {  	_ =	shalt  }
0x75: {  	_ =	shalt  }
0x76: {  	_ =	shalt  }
0x77: {  	_ =	shalt  }
0x78: {  	_ =	shalt  }
0x79: {  	_ =	shalt  }
0x7a: {  	_ =	shalt  }
0x7b: {  	_ =	shalt  }
0x7c: {  	_ =	shalt  }
0x7d: {  	_ =	shalt  }
0x7e: {  	_ =	shalt  }
0x7f: {  	_ =	shalt  }
0x80: {  	_ =	shalt  }
0x81: {  	_ =	shalt  }
0x82: {  	_ =	shalt  }
0x83: {  	_ =	shalt  }
0x84: {  	_ =	shalt  }
0x85: {  	_ =	shalt  }
0x86: {  	_ =	shalt  }
0x87: {  	_ =	shalt  }
.Lfunc_end0:
.L_simem_size_0:
called_computation.2_lowered:
.L_overlay_start_0:
0x88: {  	s2 =	sld [smem:$0x3FD9]  }
0x89: {  	s3 =	sld [smem:$0x3FFE];
	_ =	sdelay $0x1  }
0x8a: {  	s1 =	srdreg.scid  }
0x8b: {  	s0 =	sand.u32 $0x1, s1  }
0x8c: {  	s17 =	sshll.u32 s0, $0xA;
	s2 =	sadd.s32 s3, s2  }
0x8d: {  	s2 =	sadd.s32 s2, s17  }
0x8e: {  	[smem:$0x3FBD] =	sst s2  }
0x8f: {  	_ = 	snop  }
0x90: {  	s18 =	sld [smem:$0x3FC7]  }
0x91: {  	s4 =	sld [smem:$0x3FC6];
	(tm) =	ssettm $0x1  }
0x92: {  	s19 =	sld [smem:$0x3FFB];
	_ =	sdelay $0x3  }
0x93: {  	_ =	strace s19  }
0x94: {  	s2 =	sld [smem:$0x3FFC];
	_ =	sdelay $0x3  }
0x95: {  	_ =	strace s2  }
0x96: {  	s2 =	sld [smem:$0x3FFD];
	_ =	sdelay $0x3  }
0x97: {  	_ =	strace s2  }
0x98: {  	_ =	strace $0x8FFFFFFF  }
0x99: {  	s20 =	sld [smem:$0x3FDB];
	_ =	sdelay $0x1  }
0x9a: {  	s5 =	simm.s32 $_scs_section_size  }
0x9b: {  	s6 =	simm.s32 $_size__tile_overlayer_lowered;
	s7 =	simm.s32 $_tile_overlayer_lowered  }
0x9c: {  	s8 =	simm.s32 $0x1BFF;
	s21 =	sshll.u32 s7, $0x1;
	s5 =	sadd.s32 s5, s20  }
0x9d: {  	s22 =	simm.s32 $0x0;
	s6 =	sshll.u32 s6, $0x1;
	s7 =	sadd.s32 s21, s5  }
0x9e: {  	[timem:s22], [sflag:s8] =	dma.local [hbm:s7], s6  }
0x9f: {  	_ =	swait.ge [sflag:s8], s6  }
0xa0: {  	s6 =	ssub.s32 $0x0, s6;
	[sflag:s8] =	ssyncset.done $0x0  }
0xa1: {  	[sflag:s8] =	ssyncadd.s32 s6;
	_ =	sdelay $0x1  }
0xa2: {  	s23 =	simm.s32 $0x1B8B  }
0xa3: {  	_ =	swait.ge [sflag:s23], $0x1  }
0xa4: {  	[sflag:s23] =	ssyncset.done $0x0  }
0xa5: {  	[sflag:s23] =	ssyncadd.s32 $0xFFFFFFFF  }
0xa6: {  	s6 =	sld [smem:$0x0]  }
0xa7: {  	s7 =	sand.u32 $0xFFFFFFFE, s1  }
0xa8: {  	p0 =	sne.s32 s1, s7  }
0xa9: {  	s7 =	sshll.u32 @p0 s7, $0xE  }
0xaa: {  	s7 =	sadd.s32 @p0 $0x11B8D, s7;
	s8 =	sshll.u32 @p0 s6, $0x11  }
0xab: {  	s7 =	sor.u32 @p0 s8, s7  }
0xac: {  	[sflag:s7] =	ssyncadd.remote.s32 @p0 $0x1;
	_ =	sdelay $0x1  }
0xad: {  	s7 =	simm.s32 @p0 $0x1B8D  }
0xae: {  	_ =	swait.eq @p0 [sflag:s7], $0x1  }
0xaf: {  	[sflag:s7] =	ssyncadd.s32 @p0 $0xFFFFFFFF  }
0xb0: {  	s8 =	sshll.u32 @!p0 s1, $0xE  }
0xb1: {  	s8 =	sor.u32 @!p0 $0x4000, s8;
	s7 =	simm.s32 @!p0 $0x1B8D  }
0xb2: {  	s6 =	sshll.u32 @!p0 s6, $0x11;
	s8 =	sadd.s32 @!p0 $0x11B8D, s8;
	_ =	swait.eq @!p0 [sflag:s7], $0x1  }
0xb3: {  	s6 =	sor.u32 @!p0 s6, s8;
	[sflag:s7] =	ssyncadd.s32 @!p0 $0xFFFFFFFF  }
0xb4: {  	s25 =	simm.s32 $0x1B8E;
	s24 =	sld [smem:$0x3FFE];
	[sflag:s6] =	ssyncadd.remote.s32 @!p0 $0x1  }
0xb5: {  	s26 =	simm.s32 $execute0_lowered;
	[smem:$0x3FD2] =	sst s25  }
0xb6: {  	s7 =	sshll.u32 s26, $0x1;
	_ =	strace $0x80000049;
	[dreg:$0x1] =	wrdreg $0xFFFFFFFF  }
0xb7: {  	s28 =	simm.s32 $_size_execute0_lowered;
	s5 =	sadd.s32 s5, s7;
	[dreg:$0x0] =	wrdreg $0x0  }
0xb8: {  	s7 =	sshll.u32 s28, $0x1;
	[dreg:$0x2] =	wrdreg s5  }
0xb9: {  	[dreg:$0x3] =	wrdreg s7  }
0xba: {  	[dreg:$0x4] =	wrdreg $0xC0  }
0xbb: {  	_ =	task [dreg:s22], $0x5FFFF  }
0xbc: {  	[dreg:$0x1] =	wrdreg $0xFFFFFFFF  }
0xbd: {  	[dreg:$0x0] =	wrdreg $0x60  }
0xbe: {  	[dreg:$0x2] =	wrdreg s24  }
0xbf: {  	[dreg:$0x3] =	wrdreg s18  }
0xc0: {  	[dreg:$0x4] =	wrdreg s4  }
0xc1: {  	[dreg:$0x5] =	wrdreg $0xB  }
0xc2: {  	_ =	task.clear_ibuf [dreg:s22], $0x6FFFF;
	_ =	strace $0x90000049  }
0xc3: {  	s29 =	simm.s32 $0xB;
	_ =	strace $0x8000004B  }
0xc4: {  	_ =	swait.ge [sflag:s29], $0x1  }
0xc5: {  	[sflag:s29] =	ssyncadd.s32 $0xFFFFFFFF  }
0xc6: {  	_ =	strace $0x9000004B  }
0xc7: {  	_ =	sfence  }
0xc8: {  	s30 =	sld [smem:$0x0];
	_ =	sdelay $0x2  }
0xc9: {  	s31 =	sshll.u32 s1, $0xD;
	s1 =	sshrl.u32 s1, $0x2  }
0xca: {  	s4 =	sand.u32 $0x4000, s31;
	s1 =	sadd.s32 s1, s30  }
0xcb: {  	s0 =	sor.u32 s4, s0;
	s1 =	sshll.u32 s1, $0x11  }
0xcc: {  	s0 =	sor.u32 s1, s0  }
0xcd: {  	s0 =	sadd.s32 $0x8F2B, s0  }
0xce: {  	[sflag:s0] =	ssyncadd.remote.s32 $0x1  }
0xcf: {  	_ =	sfence.sel $0xFFFF  }
0xd0: {  	[dreg:$0x0] =	wrdreg $0xFFFFFFFF;
	(pc) =	sbr.abs _section_cstart, $3  }
0xd1: {  	[dreg:$0x1] =	wrdreg $0xFFFFFFFF  }
0xd2: {  	_ =	task.clear_ibuf [dreg:s22], $0x2FFFF;
	_ =	strace $0x9FFFFFFF  }
0xd3: {  	(tm) =	ssettm $0x7FFFFFFF  }
tec
execute0_lowered:
.L_overlay_start_1:
0x0: {  	(tag) =	ssettag $0x1  }
0x1: {  	s1 =	srdreg.scid;
	s0 =	stileid.u32  }
0x2: {  	s5 =	rddreg [dreg:$0x0];
	s11 =	sand.u32 $0x1, s1;
	s31 =	sshll.u32 s0, $0x1  }
0x3: {  	s2 =	rddreg [dreg:$0x1];
	s1 =	sor.u32 s11, s31  }
0x4: {  	s3 =	rddreg [dreg:$0x2];
	s4 =	simm.s32 $0x0;
	s6 =	smul.u32 $0x640, s1  }
0x5: {  	[smem:$0x7FF] =	sst s4  }
0x6: {  	s1 =	rddreg [dreg:$0x3];
	s12 =	sadd.s32 s6, s5  }
0x7: {  	_ =	strace $0x8000004A;
	s5 =	simm.s32 $0x3;
	s6 =	sadd.s32 $0x10400, s12  }
0x8: {  	[tilespmem:s4], [sflag:$0x3] =	stream.linear.gather [hbm4b:s6+s4], $0x3200, $0x38;
	[tilespmem:$0x9600] =	vst v63  }
0x9: {  	_ =	swait.ge [sflag:s5], $0x3200  }
0xa: {  	[sflag:s5] =	ssyncset.done $0x0  }
0xb: {  	s7 =	simm.s32 $0x3200;
	[sflag:s5] =	ssyncadd.s32 $0xFFFFCE00  }
0xc: {  	[tilespmem:s7], [sflag:$0x1] =	stream.indirect.gather [hbm4b:s2+s7], $0x1, s4, s7, $0xb8;
	[tilespmem:$0x9600] =	vst v63  }
0xd: {  	s8 =	simm.s32 $0x6400;
	s9 =	simm.s32 $0x1  }
0xe: {  	[tilespmem:s8], [sflag:$0x2] =	stream.indirect.gather [hbm4b:s3+s7], $0x1, s4, s7, $0xb8;
	[tilespmem:$0x9600] =	vst v63  }
0xf: {  	_ =	swait.ge [sflag:s9], $0x3200  }
0x10: {  	[sflag:s9] =	ssyncset.done $0x0  }
0x11: {  	s10 =	simm.s32 $0x2;
	s13 =	ssub.s32 $0x2, s11;
	[sflag:s9] =	ssyncadd.s32 $0xFFFFCE00  }
0x12: {  	s14 =	sshrl.u32 s13, $0x1;
	_ =	swait.ge [sflag:s10], $0x3200  }
0x13: {  	s13 =	ssub.s32 s13, s14;
	[sflag:s10] =	ssyncset.done $0x0  }
0x14: {  	s13 =	smax.u32 s13, $0x1;
	s11 =	sadd.s32 $0x42400, s12;
	[sflag:s10] =	ssyncadd.s32 $0xFFFFCE00  }
0x15: {  	[hbm4b:s11+s4] =	stream.linear.scatter [tilespmem:s7], [sflag:$0x3], $0x3200, $0x38;
	[tilespmem:$0x9600] =	vst v63  }
0x16: {  	p0 =	sne.s32 s13, $0x1;
	_ =	swait.ge [sflag:s5], $0x3200  }
.Ltmp0:
0x17: {  	[sflag:s5] =	ssyncset.done $0x0;
	(pc) =	sbr.rel @!p0 .LBB2_2-.Ltmp0, $4  }
0x18: {  	s12 =	sadd.s32 $0x4EC00, s12;
	[sflag:s5] =	ssyncadd.s32 $0xFFFFCE00  }
0x19: {  	[hbm4b:s12+s4] =	stream.linear.scatter [tilespmem:s8], [sflag:$0x3], $0x3200, $0x38;
	[tilespmem:$0x9600] =	vst v63  }
0x1a: {  	_ =	swait.ge [sflag:s5], $0x3200  }
0x1b: {  	s13 =	sadd.s32 $0xFFFFFFFF, s13;
	[sflag:s5] =	ssyncset.done $0x0  }
.LBB2_1:
0x1c: {  	p0 =	sne.s32 s13, $0x1;
	s13 =	sadd.s32 $0xFFFFFFFF, s13;
	[sflag:s5] =	ssyncadd.s32 $0xFFFFCE00  }
0x1d: {  	[tilespmem:s4], [sflag:$0x3] =	stream.linear.gather [hbm4b:s6+s4], $0x3200, $0x38;
	[tilespmem:$0x9600] =	vst v63  }
0x1e: {  	_ =	swait.ge [sflag:s5], $0x3200  }
0x1f: {  	[sflag:s5] =	ssyncset.done $0x0  }
0x20: {  	[sflag:s5] =	ssyncadd.s32 $0xFFFFCE00  }
0x21: {  	[tilespmem:s7], [sflag:$0x1] =	stream.indirect.gather [hbm4b:s2+s7], $0x1, s4, s7, $0xb8;
	[tilespmem:$0x9600] =	vst v63  }
0x22: {  	_ = 	snop  }
0x23: {  	[tilespmem:s8], [sflag:$0x2] =	stream.indirect.gather [hbm4b:s3+s7], $0x1, s4, s7, $0xb8;
	[tilespmem:$0x9600] =	vst v63  }
0x24: {  	_ =	swait.ge [sflag:s9], $0x3200  }
0x25: {  	[sflag:s9] =	ssyncset.done $0x0  }
0x26: {  	[sflag:s9] =	ssyncadd.s32 $0xFFFFCE00  }
0x27: {  	_ =	swait.ge [sflag:s10], $0x3200  }
0x28: {  	[sflag:s10] =	ssyncset.done $0x0  }
0x29: {  	[sflag:s10] =	ssyncadd.s32 $0xFFFFCE00  }
0x2a: {  	[hbm4b:s11+s4] =	stream.linear.scatter [tilespmem:s7], [sflag:$0x3], $0x3200, $0x38;
	[tilespmem:$0x9600] =	vst v63  }
0x2b: {  	_ =	swait.ge [sflag:s5], $0x3200  }
.Ltmp1:
0x2c: {  	[sflag:s5] =	ssyncset.done $0x0;
	(pc) =	sbr.rel @p0 .LBB2_1-.Ltmp1, $4  }
0x2d: {  	[sflag:s5] =	ssyncadd.s32 $0xFFFFCE00  }
0x2e: {  	[hbm4b:s12+s4] =	stream.linear.scatter [tilespmem:s8], [sflag:$0x3], $0x3200, $0x38;
	[tilespmem:$0x9600] =	vst v63  }
0x2f: {  	_ =	swait.ge [sflag:s5], $0x3200  }
0x30: {  	[sflag:s5] =	ssyncset.done $0x0  }
.LBB2_2:
0x31: {  	[sflag:s5] =	ssyncadd.s32 $0xFFFFCE00  }
0x32: {  	_ =	sfence.sel $0x180000  }
0x33: {  	[bflag:$0x0] =	sbarrier.arrive $0xFFFF  }
0x34: {  	p0 =	sne.s32 s0, $0x0;
	_ =	strace $0x9000004A  }
0x35: {  	s0 =	sadd.s32 @!p0 $0x100000, s1;
	[bflag:$0x2] =	sbarrier.arrive $0xFFFF  }
0x36: {  	[sflag:s0] =	ssyncadd.tile.s32 @!p0 $0x1;
	_ =	shalt  }
.Lfunc_end2:
_tile_overlayer_lowered:
.L_overlay_start_2:
0x37: {  	(tag) =	ssettag $0x2  }
0x38: {  	s0 =	rddreg [dreg:$0x0];
	s2 =	stileid.u32  }
0x39: {  	s1 =	rddreg [dreg:$0x1];
	p0 =	sne.s32 s2, $0x0  }
0x3a: {  	s3 =	rddreg [dreg:$0x2];
	[bflag:$0x3] =	sbarrier.arrive $0xFFFF;
	s2 =	simm.s32 @!p0 $0x1C03  }
0x3b: {  	[timem:s3], [sflag:s2] =	dma.local @!p0 [hbm:s0], s1  }
0x3c: {  	s0 =	simm.s32 @!p0 $0x3  }
0x3d: {  	_ =	swait.ge @!p0 [sflag:s0], s1  }
0x3e: {  	s1 =	ssub.s32 @!p0 $0x0, s1;
	[sflag:s0] =	ssyncset.done @!p0 $0x0  }
0x3f: {  	[sflag:s0] =	ssyncadd.s32 @!p0 s1  }
0x40: {  	[bflag:$0x3] =	sbarrier.arrive $0xFFFF  }
0x41: {  	_ =	shalt  }

// kernel: kernel.19.cloned.1.call-start
scs
__scs_entry_jumppad:
0x0: {  	(pc) =	sbr.rel $0x88, $3  }
0x1: {  	(tag) =	ssettag $0x0;
	lr =	simm.s32 $0x1  }
0x2: {  	[smem:$0x3F96] =	sst lr;
	_ =	strace $0xD0000000  }
0x3: {  	_ = 	snop  }
0x4: {  	_ = 	snop  }
0x5: {  	_ = 	snop  }
0x6: {  	_ = 	snop  }
0x7: {  	_ = 	snop  }
__scs_overlays_trampoline_lowered:
0x8: {  	[smem:$0x3FA5] =	sst s0  }
0x9: {  	[smem:$0x3FA6] =	sst s1  }
0xa: {  	[smem:$0x3FA7] =	sst s2  }
0xb: {  	[smem:$0x3FA8] =	sst s3  }
0xc: {  	[smem:$0x3FA9] =	sst s4  }
0xd: {  	[smem:$0x3FAA] =	sst s5  }
0xe: {  	[smem:$0x3FAB] =	sst s6  }
0xf: {  	[smem:$0x3FAC] =	sst s7  }
0x10: {  	[smem:$0x3FAD] =	sst s8  }
0x11: {  	[smem:$0x3FAE] =	sst s9;
	s0 =	simm.s32 @!p0 $0x0  }
0x12: {  	s1 =	sld [smem:$0x3F94];
	s0 =	simm.s32 @p0 $0x1  }
0x13: {  	[smem:$0x3FAF] =	sst s0;
	s0 =	simm.s32 @!p1 $0x0  }
0x14: {  	s2 =	sld [smem:$0x3F93];
	s0 =	simm.s32 @p1 $0x1  }
0x15: {  	[smem:$0x3FB0] =	sst s0;
	s0 =	simm.s32 @!p2 $0x0  }
0x16: {  	s3 =	sld [smem:$0x3FDB];
	s0 =	simm.s32 @p2 $0x1  }
0x17: {  	s4 =	simm.s32 $0x1BF5;
	[smem:$0x3FB2] =	sst s0  }
0x18: {  	s0 =	sld [smem:$0x3F95];
	_ =	swait.ge [sflag:s4], $0x0  }
0x19: {  	s7 =	sld [smem:$0x3F96]  }
0x1a: {  	s8 =	sadd.s32 $0xFFFFE003, lr  }
0x1b: {  	s9 =	sadd.s32 $0xFFFFFEF7, lr;
	s5 =	simm.s32 $0xFFFFFFFF;
	p2 =	slt.u32 s8, $0xFFFFF086  }
0x1c: {  	p1 =	slt.u32 s9, $0xF7A;
	s5 =	simm.s32 @!p2 $0x0  }
0x1d: {  	s5 =	simm.s32 @p1 $0x1;
	p0 =	seq.s32 s7, s2  }
0x1e: {  	s7 =	smul.u32 @!p0 $0xF7A, s2;
	p2 =	seq.s32 @!p0 s5, $0x0  }
0x1f: {  	s9 =	smul.u32 $0xF7A, s1;
	s8 =	simm.s32 @!p0 $0x1BF5;
	p2 =	por !p2, p0  }
0x20: {  	[sflag:s8] =	ssyncset.s32 @!p0 $0xFFFFF086;
	s6 =	sadd.s32 @!p0 s3, s7;
	s7 =	simm.s32 @!p0 $0x108  }
0x21: {  	s3 =	sadd.s32 s3, s9;
	s6 =	sadd.s32 @!p0 $0x88, s6;
	s7 =	simm.s32 @p2 $0x1082  }
0x22: {  	[simem:s7], [sflag:s8] =	dma.local @!p0 [hbm:s6], $0xF7A  }
0x23: {  	s9 =	sor.u32 $0xD0000000, s2;
	s6 =	simm.s32 $0x108;
	_ =	swait.ge @!p0 [sflag:s8], $0x0  }
0x24: {  	s3 =	sadd.s32 $0x88, s3;
	s6 =	simm.s32 @!p1 $0x1082;
	[sflag:s4] =	ssyncset.s32 $0xFFFFF086  }
0x25: {  	[simem:s6], [sflag:s4] =	dma.local [hbm:s3], $0xF7A  }
0x26: {  	[smem:$0x3F96] =	sst s1;
	(tag) =	ssettag s2;
	_ =	strace s9  }
0x27: {  	s1 =	sld [smem:$0x3FA6]  }
0x28: {  	s2 =	sld [smem:$0x3FA7]  }
0x29: {  	s4 =	sld [smem:$0x3FA9]  }
0x2a: {  	p0 =	seq.s32 s5, $0x0;
	s5 =	sld [smem:$0x3FAA]  }
0x2b: {  	s6 =	sld [smem:$0x3FAB]  }
0x2c: {  	s7 =	sld [smem:$0x3FAC]  }
0x2d: {  	s3 =	simm.s32 $0x108;
	s8 =	sld [smem:$0x3FAD]  }
0x2e: {  	s3 =	simm.s32 @!p0 $0x1082;
	s9 =	sld [smem:$0x3FAE]  }
0x2f: {  	lr =	sadd.s32 s0, s3;
	s0 =	sld [smem:$0x3FA5]  }
0x30: {  	s3 =	sld [smem:$0x3FA8]  }
0x31: {  	[smem:$0x3FB1] =	sst s10  }
0x32: {  	s10 =	sld [smem:$0x3FAF];
	_ =	sdelay $0x3  }
0x33: {  	p0 =	seq.s32 s10, $0x1;
	s10 =	sld [smem:$0x3FB1];
	_ =	sdelay $0x3  }
0x34: {  	[smem:$0x3FB1] =	sst s10  }
0x35: {  	s10 =	sld [smem:$0x3FB0];
	_ =	sdelay $0x3  }
0x36: {  	p1 =	seq.s32 s10, $0x1;
	s10 =	sld [smem:$0x3FB1];
	_ =	sdelay $0x3  }
0x37: {  	[smem:$0x3FB1] =	sst s10  }
0x38: {  	s10 =	sld [smem:$0x3FB2]  }
0x39: {  	_ = 	snop;
	(pc) =	sbr.ind lr, $3  }
0x3a: {  	_ = 	snop  }
0x3b: {  	_ = 	snop  }
0x3c: {  	p2 =	seq.s32 s10, $0x1;
	s10 =	sld [smem:$0x3FB1]  }
0x3d: {  	_ =	shalt  }
0x3e: {  	_ =	shalt  }
0x3f: {  	_ =	shalt  }
0x40: {  	_ =	shalt  }
0x41: {  	_ =	shalt  }
0x42: {  	_ =	shalt  }
0x43: {  	_ =	shalt  }
0x44: {  	_ =	shalt  }
0x45: {  	_ =	shalt  }
0x46: {  	_ =	shalt  }
0x47: {  	_ =	shalt  }
0x48: {  	_ =	shalt  }
0x49: {  	_ =	shalt  }
0x4a: {  	_ =	shalt  }
0x4b: {  	_ =	shalt  }
0x4c: {  	_ =	shalt  }
0x4d: {  	_ =	shalt  }
0x4e: {  	_ =	shalt  }
0x4f: {  	_ =	shalt  }
0x50: {  	_ =	shalt  }
0x51: {  	_ =	shalt  }
0x52: {  	_ =	shalt  }
0x53: {  	_ =	shalt  }
0x54: {  	_ =	shalt  }
0x55: {  	_ =	shalt  }
0x56: {  	_ =	shalt  }
0x57: {  	_ =	shalt  }
0x58: {  	_ =	shalt  }
0x59: {  	_ =	shalt  }
0x5a: {  	_ =	shalt  }
0x5b: {  	_ =	shalt  }
0x5c: {  	_ =	shalt  }
0x5d: {  	_ =	shalt  }
0x5e: {  	_ =	shalt  }
0x5f: {  	_ =	shalt  }
0x60: {  	_ =	shalt  }
0x61: {  	_ =	shalt  }
0x62: {  	_ =	shalt  }
0x63: {  	_ =	shalt  }
0x64: {  	_ =	shalt  }
0x65: {  	_ =	shalt  }
0x66: {  	_ =	shalt  }
0x67: {  	_ =	shalt  }
0x68: {  	_ =	shalt  }
0x69: {  	_ =	shalt  }
0x6a: {  	_ =	shalt  }
0x6b: {  	_ =	shalt  }
0x6c: {  	_ =	shalt  }
0x6d: {  	_ =	shalt  }
0x6e: {  	_ =	shalt  }
0x6f: {  	_ =	shalt  }
0x70: {  	_ =	shalt  }
0x71: {  	_ =	shalt  }
0x72: {  	_ =	shalt  }
0x73: {  	_ =	shalt  }
0x74: {  	_ =	shalt  }
0x75: {  	_ =	shalt  }
0x76: {  	_ =	shalt  }
0x77: {  	_ =	shalt  }
0x78: {  	_ =	shalt  }
0x79: {  	_ =	shalt  }
0x7a: {  	_ =	shalt  }
0x7b: {  	_ =	shalt  }
0x7c: {  	_ =	shalt  }
0x7d: {  	_ =	shalt  }
0x7e: {  	_ =	shalt  }
0x7f: {  	_ =	shalt  }
0x80: {  	_ =	shalt  }
0x81: {  	_ =	shalt  }
0x82: {  	_ =	shalt  }
0x83: {  	_ =	shalt  }
0x84: {  	_ =	shalt  }
0x85: {  	_ =	shalt  }
0x86: {  	_ =	shalt  }
0x87: {  	_ =	shalt  }
.Lfunc_end0:
.L_simem_size_0:
called_computation.3_lowered:
.L_overlay_start_0:
0x88: {  	s2 =	sld [smem:$0x3FD9]  }
0x89: {  	s3 =	sld [smem:$0x3FFE];
	_ =	sdelay $0x1  }
0x8a: {  	s1 =	srdreg.scid  }
0x8b: {  	s0 =	sand.u32 $0x1, s1  }
0x8c: {  	s17 =	sshll.u32 s0, $0xA;
	s2 =	sadd.s32 s3, s2  }
0x8d: {  	s2 =	sadd.s32 s2, s17  }
0x8e: {  	[smem:$0x3FBD] =	sst s2  }
0x8f: {  	_ = 	snop  }
0x90: {  	s18 =	sld [smem:$0x3FC7]  }
0x91: {  	s4 =	sld [smem:$0x3FC6];
	(tm) =	ssettm $0x1  }
0x92: {  	s19 =	sld [smem:$0x3FFB];
	_ =	sdelay $0x3  }
0x93: {  	_ =	strace s19  }
0x94: {  	s2 =	sld [smem:$0x3FFC];
	_ =	sdelay $0x3  }
0x95: {  	_ =	strace s2  }
0x96: {  	s2 =	sld [smem:$0x3FFD];
	_ =	sdelay $0x3  }
0x97: {  	_ =	strace s2  }
0x98: {  	_ =	strace $0x8FFFFFFF  }
0x99: {  	s20 =	sld [smem:$0x3FDB];
	_ =	sdelay $0x1  }
0x9a: {  	s5 =	simm.s32 $_scs_section_size  }
0x9b: {  	s6 =	simm.s32 $_size__tile_overlayer_lowered;
	s7 =	simm.s32 $_tile_overlayer_lowered  }
0x9c: {  	s8 =	simm.s32 $0x1BFF;
	s21 =	sshll.u32 s7, $0x1;
	s5 =	sadd.s32 s5, s20  }
0x9d: {  	s22 =	simm.s32 $0x0;
	s6 =	sshll.u32 s6, $0x1;
	s7 =	sadd.s32 s21, s5  }
0x9e: {  	[timem:s22], [sflag:s8] =	dma.local [hbm:s7], s6  }
0x9f: {  	_ =	swait.ge [sflag:s8], s6  }
0xa0: {  	s6 =	ssub.s32 $0x0, s6;
	[sflag:s8] =	ssyncset.done $0x0  }
0xa1: {  	[sflag:s8] =	ssyncadd.s32 s6;
	_ =	sdelay $0x1  }
0xa2: {  	s23 =	simm.s32 $0x1B8B  }
0xa3: {  	_ =	swait.ge [sflag:s23], $0x1  }
0xa4: {  	[sflag:s23] =	ssyncset.done $0x0  }
0xa5: {  	[sflag:s23] =	ssyncadd.s32 $0xFFFFFFFF  }
0xa6: {  	s6 =	sld [smem:$0x0]  }
0xa7: {  	s7 =	sand.u32 $0xFFFFFFFE, s1  }
0xa8: {  	p0 =	sne.s32 s1, s7  }
0xa9: {  	s7 =	sshll.u32 @p0 s7, $0xE  }
0xaa: {  	s7 =	sadd.s32 @p0 $0x11B8D, s7;
	s8 =	sshll.u32 @p0 s6, $0x11  }
0xab: {  	s7 =	sor.u32 @p0 s8, s7  }
0xac: {  	[sflag:s7] =	ssyncadd.remote.s32 @p0 $0x1;
	_ =	sdelay $0x1  }
0xad: {  	s7 =	simm.s32 @p0 $0x1B8D  }
0xae: {  	_ =	swait.eq @p0 [sflag:s7], $0x1  }
0xaf: {  	[sflag:s7] =	ssyncadd.s32 @p0 $0xFFFFFFFF  }
0xb0: {  	s8 =	sshll.u32 @!p0 s1, $0xE  }
0xb1: {  	s8 =	sor.u32 @!p0 $0x4000, s8;
	s7 =	simm.s32 @!p0 $0x1B8D  }
0xb2: {  	s6 =	sshll.u32 @!p0 s6, $0x11;
	s8 =	sadd.s32 @!p0 $0x11B8D, s8;
	_ =	swait.eq @!p0 [sflag:s7], $0x1  }
0xb3: {  	s6 =	sor.u32 @!p0 s6, s8;
	[sflag:s7] =	ssyncadd.s32 @!p0 $0xFFFFFFFF  }
0xb4: {  	s25 =	simm.s32 $0x1B8E;
	s24 =	sld [smem:$0x3FFE];
	[sflag:s6] =	ssyncadd.remote.s32 @!p0 $0x1  }
0xb5: {  	s26 =	simm.s32 $execute0_lowered;
	[smem:$0x3FD2] =	sst s25  }
0xb6: {  	s7 =	sshll.u32 s26, $0x1;
	_ =	strace $0x8000004C;
	[dreg:$0x1] =	wrdreg $0xFFFFFFFF  }
0xb7: {  	s28 =	simm.s32 $_size_execute0_lowered;
	s5 =	sadd.s32 s5, s7;
	[dreg:$0x0] =	wrdreg $0x0  }
0xb8: {  	s7 =	sshll.u32 s28, $0x1;
	[dreg:$0x2] =	wrdreg s5  }
0xb9: {  	[dreg:$0x3] =	wrdreg s7  }
0xba: {  	[dreg:$0x4] =	wrdreg $0xC0  }
0xbb: {  	_ =	task [dreg:s22], $0x5FFFF  }
0xbc: {  	[dreg:$0x1] =	wrdreg $0xFFFFFFFF  }
0xbd: {  	[dreg:$0x0] =	wrdreg $0x60  }
0xbe: {  	[dreg:$0x2] =	wrdreg s24  }
0xbf: {  	[dreg:$0x3] =	wrdreg s18  }
0xc0: {  	[dreg:$0x4] =	wrdreg s4  }
0xc1: {  	[dreg:$0x5] =	wrdreg $0xC  }
0xc2: {  	_ =	task.clear_ibuf [dreg:s22], $0x6FFFF;
	_ =	strace $0x9000004C  }
0xc3: {  	s29 =	simm.s32 $0xC;
	_ =	strace $0x8000004E  }
0xc4: {  	_ =	swait.ge [sflag:s29], $0x1  }
0xc5: {  	[sflag:s29] =	ssyncadd.s32 $0xFFFFFFFF  }
0xc6: {  	_ =	strace $0x9000004E  }
0xc7: {  	_ =	sfence  }
0xc8: {  	s30 =	sld [smem:$0x0];
	_ =	sdelay $0x2  }
0xc9: {  	s31 =	sshll.u32 s1, $0xD;
	s1 =	sshrl.u32 s1, $0x2  }
0xca: {  	s4 =	sand.u32 $0x4000, s31;
	s1 =	sadd.s32 s1, s30  }
0xcb: {  	s0 =	sor.u32 s4, s0;
	s1 =	sshll.u32 s1, $0x11  }
0xcc: {  	s0 =	sor.u32 s1, s0  }
0xcd: {  	s0 =	sadd.s32 $0x8F2B, s0  }
0xce: {  	[sflag:s0] =	ssyncadd.remote.s32 $0x1  }
0xcf: {  	_ =	sfence.sel $0xFFFF  }
0xd0: {  	[dreg:$0x0] =	wrdreg $0xFFFFFFFF;
	(pc) =	sbr.abs _section_cstart, $3  }
0xd1: {  	[dreg:$0x1] =	wrdreg $0xFFFFFFFF  }
0xd2: {  	_ =	task.clear_ibuf [dreg:s22], $0x2FFFF;
	_ =	strace $0x9FFFFFFF  }
0xd3: {  	(tm) =	ssettm $0x7FFFFFFF  }
tec
execute0_lowered:
.L_overlay_start_1:
0x0: {  	(tag) =	ssettag $0x1  }
0x1: {  	s1 =	srdreg.scid;
	s0 =	stileid.u32  }
0x2: {  	s5 =	rddreg [dreg:$0x0];
	s11 =	sand.u32 $0x1, s1;
	s31 =	sshll.u32 s0, $0x1  }
0x3: {  	s2 =	rddreg [dreg:$0x1];
	s1 =	sor.u32 s11, s31  }
0x4: {  	s3 =	rddreg [dreg:$0x2];
	s4 =	simm.s32 $0x0;
	s6 =	smul.u32 $0x640, s1  }
0x5: {  	[smem:$0x7FF] =	sst s4  }
0x6: {  	s1 =	rddreg [dreg:$0x3];
	s12 =	sadd.s32 s6, s5  }
0x7: {  	_ =	strace $0x8000004D;
	s5 =	simm.s32 $0x3;
	s6 =	sadd.s32 $0x1CC00, s12  }
0x8: {  	[tilespmem:s4], [sflag:$0x3] =	stream.linear.gather [hbm4b:s6+s4], $0x3200, $0x38;
	[tilespmem:$0x9600] =	vst v63  }
0x9: {  	_ =	swait.ge [sflag:s5], $0x3200  }
0xa: {  	[sflag:s5] =	ssyncset.done $0x0  }
0xb: {  	s7 =	simm.s32 $0x3200;
	[sflag:s5] =	ssyncadd.s32 $0xFFFFCE00  }
0xc: {  	[tilespmem:s7], [sflag:$0x1] =	stream.indirect.gather [hbm4b:s2+s7], $0x1, s4, s7, $0xb8;
	[tilespmem:$0x9600] =	vst v63  }
0xd: {  	s8 =	simm.s32 $0x6400;
	s9 =	simm.s32 $0x1  }
0xe: {  	[tilespmem:s8], [sflag:$0x2] =	stream.indirect.gather [hbm4b:s3+s7], $0x1, s4, s7, $0xb8;
	[tilespmem:$0x9600] =	vst v63  }
0xf: {  	_ =	swait.ge [sflag:s9], $0x3200  }
0x10: {  	[sflag:s9] =	ssyncset.done $0x0  }
0x11: {  	s10 =	simm.s32 $0x2;
	s13 =	ssub.s32 $0x2, s11;
	[sflag:s9] =	ssyncadd.s32 $0xFFFFCE00  }
0x12: {  	s14 =	sshrl.u32 s13, $0x1;
	_ =	swait.ge [sflag:s10], $0x3200  }
0x13: {  	s13 =	ssub.s32 s13, s14;
	[sflag:s10] =	ssyncset.done $0x0  }
0x14: {  	s13 =	smax.u32 s13, $0x1;
	s11 =	sadd.s32 $0x5B400, s12;
	[sflag:s10] =	ssyncadd.s32 $0xFFFFCE00  }
0x15: {  	[hbm4b:s11+s4] =	stream.linear.scatter [tilespmem:s7], [sflag:$0x3], $0x3200, $0x38;
	[tilespmem:$0x9600] =	vst v63  }
0x16: {  	p0 =	sne.s32 s13, $0x1;
	_ =	swait.ge [sflag:s5], $0x3200  }
.Ltmp0:
0x17: {  	[sflag:s5] =	ssyncset.done $0x0;
	(pc) =	sbr.rel @!p0 .LBB2_2-.Ltmp0, $4  }
0x18: {  	s12 =	sadd.s32 $0x67C00, s12;
	[sflag:s5] =	ssyncadd.s32 $0xFFFFCE00  }
0x19: {  	[hbm4b:s12+s4] =	stream.linear.scatter [tilespmem:s8], [sflag:$0x3], $0x3200, $0x38;
	[tilespmem:$0x9600] =	vst v63  }
0x1a: {  	_ =	swait.ge [sflag:s5], $0x3200  }
0x1b: {  	s13 =	sadd.s32 $0xFFFFFFFF, s13;
	[sflag:s5] =	ssyncset.done $0x0  }
.LBB2_1:
0x1c: {  	p0 =	sne.s32 s13, $0x1;
	s13 =	sadd.s32 $0xFFFFFFFF, s13;
	[sflag:s5] =	ssyncadd.s32 $0xFFFFCE00  }
0x1d: {  	[tilespmem:s4], [sflag:$0x3] =	stream.linear.gather [hbm4b:s6+s4], $0x3200, $0x38;
	[tilespmem:$0x9600] =	vst v63  }
0x1e: {  	_ =	swait.ge [sflag:s5], $0x3200  }
0x1f: {  	[sflag:s5] =	ssyncset.done $0x0  }
0x20: {  	[sflag:s5] =	ssyncadd.s32 $0xFFFFCE00  }
0x21: {  	[tilespmem:s7], [sflag:$0x1] =	stream.indirect.gather [hbm4b:s2+s7], $0x1, s4, s7, $0xb8;
	[tilespmem:$0x9600] =	vst v63  }
0x22: {  	_ = 	snop  }
0x23: {  	[tilespmem:s8], [sflag:$0x2] =	stream.indirect.gather [hbm4b:s3+s7], $0x1, s4, s7, $0xb8;
	[tilespmem:$0x9600] =	vst v63  }
0x24: {  	_ =	swait.ge [sflag:s9], $0x3200  }
0x25: {  	[sflag:s9] =	ssyncset.done $0x0  }
0x26: {  	[sflag:s9] =	ssyncadd.s32 $0xFFFFCE00  }
0x27: {  	_ =	swait.ge [sflag:s10], $0x3200  }
0x28: {  	[sflag:s10] =	ssyncset.done $0x0  }
0x29: {  	[sflag:s10] =	ssyncadd.s32 $0xFFFFCE00  }
0x2a: {  	[hbm4b:s11+s4] =	stream.linear.scatter [tilespmem:s7], [sflag:$0x3], $0x3200, $0x38;
	[tilespmem:$0x9600] =	vst v63  }
0x2b: {  	_ =	swait.ge [sflag:s5], $0x3200  }
.Ltmp1:
0x2c: {  	[sflag:s5] =	ssyncset.done $0x0;
	(pc) =	sbr.rel @p0 .LBB2_1-.Ltmp1, $4  }
0x2d: {  	[sflag:s5] =	ssyncadd.s32 $0xFFFFCE00  }
0x2e: {  	[hbm4b:s12+s4] =	stream.linear.scatter [tilespmem:s8], [sflag:$0x3], $0x3200, $0x38;
	[tilespmem:$0x9600] =	vst v63  }
0x2f: {  	_ =	swait.ge [sflag:s5], $0x3200  }
0x30: {  	[sflag:s5] =	ssyncset.done $0x0  }
.LBB2_2:
0x31: {  	[sflag:s5] =	ssyncadd.s32 $0xFFFFCE00  }
0x32: {  	_ =	sfence.sel $0x180000  }
0x33: {  	[bflag:$0x0] =	sbarrier.arrive $0xFFFF  }
0x34: {  	p0 =	sne.s32 s0, $0x0;
	_ =	strace $0x9000004D  }
0x35: {  	s0 =	sadd.s32 @!p0 $0x100000, s1;
	[bflag:$0x2] =	sbarrier.arrive $0xFFFF  }
0x36: {  	[sflag:s0] =	ssyncadd.tile.s32 @!p0 $0x1;
	_ =	shalt  }
.Lfunc_end2:
_tile_overlayer_lowered:
.L_overlay_start_2:
0x37: {  	(tag) =	ssettag $0x2  }
0x38: {  	s0 =	rddreg [dreg:$0x0];
	s2 =	stileid.u32  }
0x39: {  	s1 =	rddreg [dreg:$0x1];
	p0 =	sne.s32 s2, $0x0  }
0x3a: {  	s3 =	rddreg [dreg:$0x2];
	[bflag:$0x3] =	sbarrier.arrive $0xFFFF;
	s2 =	simm.s32 @!p0 $0x1C03  }
0x3b: {  	[timem:s3], [sflag:s2] =	dma.local @!p0 [hbm:s0], s1  }
0x3c: {  	s0 =	simm.s32 @!p0 $0x3  }
0x3d: {  	_ =	swait.ge @!p0 [sflag:s0], s1  }
0x3e: {  	s1 =	ssub.s32 @!p0 $0x0, s1;
	[sflag:s0] =	ssyncset.done @!p0 $0x0  }
0x3f: {  	[sflag:s0] =	ssyncadd.s32 @!p0 s1  }
0x40: {  	[bflag:$0x3] =	sbarrier.arrive $0xFFFF  }
0x41: {  	_ =	shalt  }

</sc_bundles>
